<compile_context>
chip_gen: v7x
topology: tpu7x:2x2x1
jax: 0.10.2.dev20260603
libtpu: 0.0.44.dev20260713+nightly
codegen_flags: <defaults>
</compile_context>

<pallas_src>
import functools

import jax
import jax.numpy as jnp
from jax import lax
from jax.experimental import pallas as pl
from jax.experimental.pallas import tpu as pltpu
from jax.experimental.pallas import tpu_sc as plsc

VOCAB_TILE = 2048


@functools.lru_cache(maxsize=None)
def _make_sc_gather_t(D, V, N, BLOCK):
    info = plsc.get_sparse_core_info()
    NC, NS = info.num_cores, info.num_subcores
    NW = NC * NS
    assert D == NW
    BATCH = N // BLOCK
    mesh = plsc.VectorSubcoreMesh(core_axis_name="c", subcore_axis_name="s")

    @functools.partial(
        pl.kernel,
        mesh=mesh,
        out_type=jax.ShapeDtypeStruct((BLOCK * D, BATCH), jnp.float32),
        scratch_types=[
            pltpu.VMEM((N,), jnp.int32),
            pltpu.VMEM((N,), jnp.float32),
            pltpu.SemaphoreType.DMA,
        ],
        compiler_params=pltpu.CompilerParams(use_tc_tiling_on_sc=False),
    )
    def gather(table_hbm, idx_hbm, out_hbm, idx_v, col_v, sem):
        c = lax.axis_index("s") * NC + lax.axis_index("c")
        pltpu.sync_copy(idx_hbm, idx_v)
        row = table_hbm.at[c]
        pltpu.async_copy(row.at[idx_v], col_v, sem).wait()
        for j in range(BLOCK):
            pltpu.sync_copy(col_v.at[pl.ds(j * BATCH, BATCH)],
                            out_hbm.at[j * D + c])

    return gather


def _mlp_body(flatt_ref, W1_ref, b1_ref, W2t_ref, b2_ref, out_ref, ht_ref):
    @pl.when(pl.program_id(0) == 0)
    def _():
        ht = lax.dot_general(
            W1_ref[...], flatt_ref[...],
            dimension_numbers=(((0,), (0,)), ((), ())),
            preferred_element_type=jnp.float32,
        )
        ht = jnp.maximum(ht + b1_ref[...], 0.0)
        ht_ref[...] = ht.astype(jnp.bfloat16)

    acc = jnp.dot(W2t_ref[...].astype(jnp.bfloat16), ht_ref[...],
                  preferred_element_type=jnp.float32)
    b2_col = lax.dot_general(
        b2_ref[...], jnp.ones((1, 1), jnp.float32),
        dimension_numbers=(((0,), (0,)), ((), ())),
        preferred_element_type=jnp.float32,
    )
    out_ref[...] = acc + b2_col


@functools.lru_cache(maxsize=None)
def _make_mlp(B, F, H, V):
    n_tiles = pl.cdiv(V, VOCAB_TILE)
    return pl.pallas_call(
        _mlp_body,
        grid=(n_tiles,),
        in_specs=[
            pl.BlockSpec((F, B), lambda i: (0, 0)),
            pl.BlockSpec((F, H), lambda i: (0, 0)),
            pl.BlockSpec((H, 1), lambda i: (0, 0)),
            pl.BlockSpec((VOCAB_TILE, H), lambda i: (i, 0)),
            pl.BlockSpec((1, VOCAB_TILE), lambda i: (0, i)),
        ],
        out_specs=pl.BlockSpec((VOCAB_TILE, B), lambda i: (i, 0)),
        out_shape=jax.ShapeDtypeStruct((V, B), jnp.float32),
        scratch_shapes=[pltpu.VMEM((H, B), jnp.bfloat16)],
        compiler_params=pltpu.CompilerParams(
            dimension_semantics=("arbitrary",),
        ),
    )


def kernel(x, emb, W1, b1, W2, b2):
    B, BLOCK = x.shape
    V, D = emb.shape
    H = W1.shape[1]
    VOC = W2.shape[1]
    idx = x.T.reshape(-1).astype(jnp.int32)
    flat_t = _make_sc_gather_t(D, V, B * BLOCK, BLOCK)(emb.T, idx)
    mlp = _make_mlp(B, BLOCK * D, H, VOC)
    out_t = mlp(flat_t, W1, b1.reshape(H, 1), W2.T, b2.reshape(1, VOC))
    return out_t.T

# --- scband reference (transcript-rebuilt; emitter-appended) ---
"""Pipeline reference for scband-next-word-22136261444300 (READ-ONLY COPY).

The authoritative reference and input builder live on the scoring server;
editing this copy changes nothing except your own understanding.
"""

import jax, jax.numpy as jnp
import numpy as np

VOCAB = 100000
BLOCK = 20
EMB = 32
HID = 512
BATCH = 1024


def setup_inputs(seed: int = 0) -> dict:
    key = jax.random.key(seed)
    k0, k1, k2, k3, k4, k5 = jax.random.split(key, 6)
    x = jax.random.randint(k0, (BATCH, BLOCK), 0, VOCAB)
    emb = jax.random.normal(k1, (VOCAB, EMB), dtype=jnp.float32) * 0.02
    W1 = jax.random.normal(k2, (BLOCK * EMB, HID), dtype=jnp.float32) * (1.0 / np.sqrt(BLOCK * EMB))
    b1 = jnp.zeros((HID,), dtype=jnp.float32)
    W2 = jax.random.normal(k3, (HID, VOCAB), dtype=jnp.float32) * (1.0 / np.sqrt(HID))
    b2 = jnp.zeros((VOCAB,), dtype=jnp.float32)
    return {"x": x, "emb": emb, "W1": W1, "b1": b1, "W2": W2, "b2": b2}


def reference(x, emb, W1, b1, W2, b2):
    # nn.Embedding lookup -> gather rows
    e = jnp.take(emb, x, axis=0)            # [B, BLOCK, EMB]
    flat = e.reshape(e.shape[0], -1)         # [B, BLOCK*EMB]
    h = jax.nn.relu(flat @ W1 + b1)          # [B, HID]
    logits = h @ W2 + b2                     # [B, VOCAB]
    return logits

if __name__ == "__main__":
    import jax
    _d = setup_inputs()
    print(jax.jit(kernel)(*tuple(_d.values())))

</pallas_src>

<mosaic_0001>
#map = affine_map<(d0, d1) -> (0, 0)>
#map1 = affine_map<(d0, d1) -> (0)>
module attributes {stable_mosaic.version = 14 : i64} {
  func.func @gather(%arg0: i32, %arg1: i32, %arg2: memref<32x100000xf32, #tpu.memory_space<hbm>>, %arg3: memref<20480xi32, #tpu.memory_space<hbm>>, %arg4: memref<640x1024xf32, #tpu.memory_space<hbm>>, %arg5: memref<20480xi32, #tpu.memory_space<vmem>>, %arg6: memref<20480xf32, #tpu.memory_space<vmem>>, %arg7: memref<!tpu.dma_semaphore, #tpu.memory_space<semaphore_mem>>) attributes {dimension_semantics = [#tpu.dimension_semantics<core_parallel>, #tpu.dimension_semantics<subcore_parallel>], iteration_bounds = array<i64: 2, 16>, scalar_prefetch = 0 : i64, scratch_operands = 3 : i64, tpu.core_type = #tpu.core_type<sc_vector_subcore>, window_params = [{transform_indices = #map}, {transform_indices = #map1}, {transform_indices = #map}]} {
    %mul3A = arith.constant 2 : i32
    %mul3A_0 = arith.muli %arg1, %mul3A : i32
    %add3A = arith.addi %mul3A_0, %arg0 : i32
    "tpu.region"() ({
      %run_scoped3A = tpu.sem_alloc : memref<!tpu.dma_semaphore, #tpu.memory_space<semaphore_mem>>
      tpu.enqueue_dma source(%arg3 : memref<20480xi32, #tpu.memory_space<hbm>>) target(%arg5 : memref<20480xi32, #tpu.memory_space<vmem>>) target_semaphore(%run_scoped3A : memref<!tpu.dma_semaphore, #tpu.memory_space<semaphore_mem>>)
      tpu.wait_dma2 semaphore(%run_scoped3A : memref<!tpu.dma_semaphore, #tpu.memory_space<semaphore_mem>>) src(%arg3 : memref<20480xi32, #tpu.memory_space<hbm>>) dst(%arg5 : memref<20480xi32, #tpu.memory_space<vmem>>)
      tpu.yield
    }) : () -> ()
    %dma_start3A = arith.constant 0 : i32
    %dma_start3A_1 = tpu.memref_slice %arg2[%add3A, %dma_start3A] : memref<32x100000xf32, #tpu.memory_space<hbm>> -> memref<1x100000xf32, #tpu.memory_space<hbm>>
    %dma_start3A_2 = tpu.memref_squeeze %dma_start3A_1 : memref<1x100000xf32, #tpu.memory_space<hbm>> -> memref<100000xf32, #tpu.memory_space<hbm>>
    %dma_start3A_3 = arith.constant 0 : i32
    %dma_start3A_4 = tpu.memref_slice %dma_start3A_2[%dma_start3A_3] : memref<100000xf32, #tpu.memory_space<hbm>> -> memref<100000xf32, #tpu.memory_space<hbm>>
    tpu.enqueue_indirect_dma source(%dma_start3A_4 : memref<100000xf32, #tpu.memory_space<hbm>>) target(%arg6 : memref<20480xf32, #tpu.memory_space<vmem>>) offsets(%arg5 : memref<20480xi32, #tpu.memory_space<vmem>>) semaphore(%arg7 : memref<!tpu.dma_semaphore, #tpu.memory_space<semaphore_mem>>)
    %dma_wait3A = arith.constant 0 : i32
    %dma_wait3A_5 = tpu.memref_slice %arg2[%add3A, %dma_wait3A] : memref<32x100000xf32, #tpu.memory_space<hbm>> -> memref<1x100000xf32, #tpu.memory_space<hbm>>
    %dma_wait3A_6 = tpu.memref_squeeze %dma_wait3A_5 : memref<1x100000xf32, #tpu.memory_space<hbm>> -> memref<100000xf32, #tpu.memory_space<hbm>>
    %dma_wait3A_7 = arith.constant 0 : i32
    %dma_wait3A_8 = tpu.memref_slice %dma_wait3A_6[%dma_wait3A_7] : memref<100000xf32, #tpu.memory_space<hbm>> -> memref<100000xf32, #tpu.memory_space<hbm>>
    tpu.wait_indirect_dma semaphore(%arg7 : memref<!tpu.dma_semaphore, #tpu.memory_space<semaphore_mem>>) src(%dma_wait3A_8 : memref<100000xf32, #tpu.memory_space<hbm>>) dst(%arg6 : memref<20480xf32, #tpu.memory_space<vmem>>)
    %add3A_9 = arith.constant 0 : i32
    %add3A_10 = arith.addi %add3A_9, %add3A : i32
    "tpu.region"() ({
      %run_scoped3A = tpu.sem_alloc : memref<!tpu.dma_semaphore, #tpu.memory_space<semaphore_mem>>
      %dma_start3A_49 = arith.constant 0 : i32
      %dma_start3A_50 = tpu.memref_slice %arg6[%dma_start3A_49] : memref<20480xf32, #tpu.memory_space<vmem>> -> memref<1024xf32, #tpu.memory_space<vmem>>
      %dma_start3A_51 = arith.constant 0 : i32
      %dma_start3A_52 = tpu.memref_slice %arg4[%add3A_10, %dma_start3A_51] : memref<640x1024xf32, #tpu.memory_space<hbm>> -> memref<1x1024xf32, #tpu.memory_space<hbm>>
      %dma_start3A_53 = tpu.memref_squeeze %dma_start3A_52 : memref<1x1024xf32, #tpu.memory_space<hbm>> -> memref<1024xf32, #tpu.memory_space<hbm>>
      %dma_start3A_54 = arith.constant 0 : i32
      %dma_start3A_55 = tpu.memref_slice %arg4[%add3A_10, %dma_start3A_54] : memref<640x1024xf32, #tpu.memory_space<hbm>> -> memref<1x1024xf32, #tpu.memory_space<hbm>>
      %dma_start3A_56 = tpu.memref_squeeze %dma_start3A_55 : memref<1x1024xf32, #tpu.memory_space<hbm>> -> memref<1024xf32, #tpu.memory_space<hbm>>
      %dma_start3A_57 = arith.constant 0 : i32
      %dma_start3A_58 = tpu.memref_slice %arg6[%dma_start3A_57] : memref<20480xf32, #tpu.memory_space<vmem>> -> memref<1024xf32, #tpu.memory_space<vmem>>
      tpu.enqueue_dma source(%dma_start3A_58 : memref<1024xf32, #tpu.memory_space<vmem>>) target(%dma_start3A_56 : memref<1024xf32, #tpu.memory_space<hbm>>) target_semaphore(%run_scoped3A : memref<!tpu.dma_semaphore, #tpu.memory_space<semaphore_mem>>)
      %dma_wait3A_59 = arith.constant 0 : i32
      %dma_wait3A_60 = tpu.memref_slice %arg6[%dma_wait3A_59] : memref<20480xf32, #tpu.memory_space<vmem>> -> memref<1024xf32, #tpu.memory_space<vmem>>
      %dma_wait3A_61 = arith.constant 0 : i32
      %dma_wait3A_62 = tpu.memref_slice %arg4[%add3A_10, %dma_wait3A_61] : memref<640x1024xf32, #tpu.memory_space<hbm>> -> memref<1x1024xf32, #tpu.memory_space<hbm>>
      %dma_wait3A_63 = tpu.memref_squeeze %dma_wait3A_62 : memref<1x1024xf32, #tpu.memory_space<hbm>> -> memref<1024xf32, #tpu.memory_space<hbm>>
      %dma_wait3A_64 = arith.constant 0 : i32
      %dma_wait3A_65 = tpu.memref_slice %arg4[%add3A_10, %dma_wait3A_64] : memref<640x1024xf32, #tpu.memory_space<hbm>> -> memref<1x1024xf32, #tpu.memory_space<hbm>>
      %dma_wait3A_66 = tpu.memref_squeeze %dma_wait3A_65 : memref<1x1024xf32, #tpu.memory_space<hbm>> -> memref<1024xf32, #tpu.memory_space<hbm>>
      %dma_wait3A_67 = arith.constant 0 : i32
      %dma_wait3A_68 = tpu.memref_slice %arg6[%dma_wait3A_67] : memref<20480xf32, #tpu.memory_space<vmem>> -> memref<1024xf32, #tpu.memory_space<vmem>>
      tpu.wait_dma2 semaphore(%run_scoped3A : memref<!tpu.dma_semaphore, #tpu.memory_space<semaphore_mem>>) src(%dma_wait3A_68 : memref<1024xf32, #tpu.memory_space<vmem>>) dst(%dma_wait3A_66 : memref<1024xf32, #tpu.memory_space<hbm>>)
      tpu.yield
    }) : () -> ()
    %add3A_11 = arith.constant 32 : i32
    %add3A_12 = arith.addi %add3A_11, %add3A : i32
    "tpu.region"() ({
      %run_scoped3A = tpu.sem_alloc : memref<!tpu.dma_semaphore, #tpu.memory_space<semaphore_mem>>
      %dma_start3A_49 = arith.constant 1024 : i32
      %dma_start3A_50 = tpu.memref_slice %arg6[%dma_start3A_49] : memref<20480xf32, #tpu.memory_space<vmem>> -> memref<1024xf32, #tpu.memory_space<vmem>>
      %dma_start3A_51 = arith.constant 0 : i32
      %dma_start3A_52 = tpu.memref_slice %arg4[%add3A_12, %dma_start3A_51] : memref<640x1024xf32, #tpu.memory_space<hbm>> -> memref<1x1024xf32, #tpu.memory_space<hbm>>
      %dma_start3A_53 = tpu.memref_squeeze %dma_start3A_52 : memref<1x1024xf32, #tpu.memory_space<hbm>> -> memref<1024xf32, #tpu.memory_space<hbm>>
      %dma_start3A_54 = arith.constant 0 : i32
      %dma_start3A_55 = tpu.memref_slice %arg4[%add3A_12, %dma_start3A_54] : memref<640x1024xf32, #tpu.memory_space<hbm>> -> memref<1x1024xf32, #tpu.memory_space<hbm>>
      %dma_start3A_56 = tpu.memref_squeeze %dma_start3A_55 : memref<1x1024xf32, #tpu.memory_space<hbm>> -> memref<1024xf32, #tpu.memory_space<hbm>>
      %dma_start3A_57 = arith.constant 1024 : i32
      %dma_start3A_58 = tpu.memref_slice %arg6[%dma_start3A_57] : memref<20480xf32, #tpu.memory_space<vmem>> -> memref<1024xf32, #tpu.memory_space<vmem>>
      tpu.enqueue_dma source(%dma_start3A_58 : memref<1024xf32, #tpu.memory_space<vmem>>) target(%dma_start3A_56 : memref<1024xf32, #tpu.memory_space<hbm>>) target_semaphore(%run_scoped3A : memref<!tpu.dma_semaphore, #tpu.memory_space<semaphore_mem>>)
      %dma_wait3A_59 = arith.constant 1024 : i32
      %dma_wait3A_60 = tpu.memref_slice %arg6[%dma_wait3A_59] : memref<20480xf32, #tpu.memory_space<vmem>> -> memref<1024xf32, #tpu.memory_space<vmem>>
      %dma_wait3A_61 = arith.constant 0 : i32
      %dma_wait3A_62 = tpu.memref_slice %arg4[%add3A_12, %dma_wait3A_61] : memref<640x1024xf32, #tpu.memory_space<hbm>> -> memref<1x1024xf32, #tpu.memory_space<hbm>>
      %dma_wait3A_63 = tpu.memref_squeeze %dma_wait3A_62 : memref<1x1024xf32, #tpu.memory_space<hbm>> -> memref<1024xf32, #tpu.memory_space<hbm>>
      %dma_wait3A_64 = arith.constant 0 : i32
      %dma_wait3A_65 = tpu.memref_slice %arg4[%add3A_12, %dma_wait3A_64] : memref<640x1024xf32, #tpu.memory_space<hbm>> -> memref<1x1024xf32, #tpu.memory_space<hbm>>
      %dma_wait3A_66 = tpu.memref_squeeze %dma_wait3A_65 : memref<1x1024xf32, #tpu.memory_space<hbm>> -> memref<1024xf32, #tpu.memory_space<hbm>>
      %dma_wait3A_67 = arith.constant 1024 : i32
      %dma_wait3A_68 = tpu.memref_slice %arg6[%dma_wait3A_67] : memref<20480xf32, #tpu.memory_space<vmem>> -> memref<1024xf32, #tpu.memory_space<vmem>>
      tpu.wait_dma2 semaphore(%run_scoped3A : memref<!tpu.dma_semaphore, #tpu.memory_space<semaphore_mem>>) src(%dma_wait3A_68 : memref<1024xf32, #tpu.memory_space<vmem>>) dst(%dma_wait3A_66 : memref<1024xf32, #tpu.memory_space<hbm>>)
      tpu.yield
    }) : () -> ()
    %add3A_13 = arith.constant 64 : i32
    %add3A_14 = arith.addi %add3A_13, %add3A : i32
    "tpu.region"() ({
      %run_scoped3A = tpu.sem_alloc : memref<!tpu.dma_semaphore, #tpu.memory_space<semaphore_mem>>
      %dma_start3A_49 = arith.constant 2048 : i32
      %dma_start3A_50 = tpu.memref_slice %arg6[%dma_start3A_49] : memref<20480xf32, #tpu.memory_space<vmem>> -> memref<1024xf32, #tpu.memory_space<vmem>>
      %dma_start3A_51 = arith.constant 0 : i32
      %dma_start3A_52 = tpu.memref_slice %arg4[%add3A_14, %dma_start3A_51] : memref<640x1024xf32, #tpu.memory_space<hbm>> -> memref<1x1024xf32, #tpu.memory_space<hbm>>
      %dma_start3A_53 = tpu.memref_squeeze %dma_start3A_52 : memref<1x1024xf32, #tpu.memory_space<hbm>> -> memref<1024xf32, #tpu.memory_space<hbm>>
      %dma_start3A_54 = arith.constant 0 : i32
      %dma_start3A_55 = tpu.memref_slice %arg4[%add3A_14, %dma_start3A_54] : memref<640x1024xf32, #tpu.memory_space<hbm>> -> memref<1x1024xf32, #tpu.memory_space<hbm>>
      %dma_start3A_56 = tpu.memref_squeeze %dma_start3A_55 : memref<1x1024xf32, #tpu.memory_space<hbm>> -> memref<1024xf32, #tpu.memory_space<hbm>>
      %dma_start3A_57 = arith.constant 2048 : i32
      %dma_start3A_58 = tpu.memref_slice %arg6[%dma_start3A_57] : memref<20480xf32, #tpu.memory_space<vmem>> -> memref<1024xf32, #tpu.memory_space<vmem>>
      tpu.enqueue_dma source(%dma_start3A_58 : memref<1024xf32, #tpu.memory_space<vmem>>) target(%dma_start3A_56 : memref<1024xf32, #tpu.memory_space<hbm>>) target_semaphore(%run_scoped3A : memref<!tpu.dma_semaphore, #tpu.memory_space<semaphore_mem>>)
      %dma_wait3A_59 = arith.constant 2048 : i32
      %dma_wait3A_60 = tpu.memref_slice %arg6[%dma_wait3A_59] : memref<20480xf32, #tpu.memory_space<vmem>> -> memref<1024xf32, #tpu.memory_space<vmem>>
      %dma_wait3A_61 = arith.constant 0 : i32
      %dma_wait3A_62 = tpu.memref_slice %arg4[%add3A_14, %dma_wait3A_61] : memref<640x1024xf32, #tpu.memory_space<hbm>> -> memref<1x1024xf32, #tpu.memory_space<hbm>>
      %dma_wait3A_63 = tpu.memref_squeeze %dma_wait3A_62 : memref<1x1024xf32, #tpu.memory_space<hbm>> -> memref<1024xf32, #tpu.memory_space<hbm>>
      %dma_wait3A_64 = arith.constant 0 : i32
      %dma_wait3A_65 = tpu.memref_slice %arg4[%add3A_14, %dma_wait3A_64] : memref<640x1024xf32, #tpu.memory_space<hbm>> -> memref<1x1024xf32, #tpu.memory_space<hbm>>
      %dma_wait3A_66 = tpu.memref_squeeze %dma_wait3A_65 : memref<1x1024xf32, #tpu.memory_space<hbm>> -> memref<1024xf32, #tpu.memory_space<hbm>>
      %dma_wait3A_67 = arith.constant 2048 : i32
      %dma_wait3A_68 = tpu.memref_slice %arg6[%dma_wait3A_67] : memref<20480xf32, #tpu.memory_space<vmem>> -> memref<1024xf32, #tpu.memory_space<vmem>>
      tpu.wait_dma2 semaphore(%run_scoped3A : memref<!tpu.dma_semaphore, #tpu.memory_space<semaphore_mem>>) src(%dma_wait3A_68 : memref<1024xf32, #tpu.memory_space<vmem>>) dst(%dma_wait3A_66 : memref<1024xf32, #tpu.memory_space<hbm>>)
      tpu.yield
    }) : () -> ()
    %add3A_15 = arith.constant 96 : i32
    %add3A_16 = arith.addi %add3A_15, %add3A : i32
    "tpu.region"() ({
      %run_scoped3A = tpu.sem_alloc : memref<!tpu.dma_semaphore, #tpu.memory_space<semaphore_mem>>
      %dma_start3A_49 = arith.constant 3072 : i32
      %dma_start3A_50 = tpu.memref_slice %arg6[%dma_start3A_49] : memref<20480xf32, #tpu.memory_space<vmem>> -> memref<1024xf32, #tpu.memory_space<vmem>>
      %dma_start3A_51 = arith.constant 0 : i32
      %dma_start3A_52 = tpu.memref_slice %arg4[%add3A_16, %dma_start3A_51] : memref<640x1024xf32, #tpu.memory_space<hbm>> -> memref<1x1024xf32, #tpu.memory_space<hbm>>
      %dma_start3A_53 = tpu.memref_squeeze %dma_start3A_52 : memref<1x1024xf32, #tpu.memory_space<hbm>> -> memref<1024xf32, #tpu.memory_space<hbm>>
      %dma_start3A_54 = arith.constant 0 : i32
      %dma_start3A_55 = tpu.memref_slice %arg4[%add3A_16, %dma_start3A_54] : memref<640x1024xf32, #tpu.memory_space<hbm>> -> memref<1x1024xf32, #tpu.memory_space<hbm>>
      %dma_start3A_56 = tpu.memref_squeeze %dma_start3A_55 : memref<1x1024xf32, #tpu.memory_space<hbm>> -> memref<1024xf32, #tpu.memory_space<hbm>>
      %dma_start3A_57 = arith.constant 3072 : i32
      %dma_start3A_58 = tpu.memref_slice %arg6[%dma_start3A_57] : memref<20480xf32, #tpu.memory_space<vmem>> -> memref<1024xf32, #tpu.memory_space<vmem>>
      tpu.enqueue_dma source(%dma_start3A_58 : memref<1024xf32, #tpu.memory_space<vmem>>) target(%dma_start3A_56 : memref<1024xf32, #tpu.memory_space<hbm>>) target_semaphore(%run_scoped3A : memref<!tpu.dma_semaphore, #tpu.memory_space<semaphore_mem>>)
      %dma_wait3A_59 = arith.constant 3072 : i32
      %dma_wait3A_60 = tpu.memref_slice %arg6[%dma_wait3A_59] : memref<20480xf32, #tpu.memory_space<vmem>> -> memref<1024xf32, #tpu.memory_space<vmem>>
      %dma_wait3A_61 = arith.constant 0 : i32
      %dma_wait3A_62 = tpu.memref_slice %arg4[%add3A_16, %dma_wait3A_61] : memref<640x1024xf32, #tpu.memory_space<hbm>> -> memref<1x1024xf32, #tpu.memory_space<hbm>>
      %dma_wait3A_63 = tpu.memref_squeeze %dma_wait3A_62 : memref<1x1024xf32, #tpu.memory_space<hbm>> -> memref<1024xf32, #tpu.memory_space<hbm>>
      %dma_wait3A_64 = arith.constant 0 : i32
      %dma_wait3A_65 = tpu.memref_slice %arg4[%add3A_16, %dma_wait3A_64] : memref<640x1024xf32, #tpu.memory_space<hbm>> -> memref<1x1024xf32, #tpu.memory_space<hbm>>
      %dma_wait3A_66 = tpu.memref_squeeze %dma_wait3A_65 : memref<1x1024xf32, #tpu.memory_space<hbm>> -> memref<1024xf32, #tpu.memory_space<hbm>>
      %dma_wait3A_67 = arith.constant 3072 : i32
      %dma_wait3A_68 = tpu.memref_slice %arg6[%dma_wait3A_67] : memref<20480xf32, #tpu.memory_space<vmem>> -> memref<1024xf32, #tpu.memory_space<vmem>>
      tpu.wait_dma2 semaphore(%run_scoped3A : memref<!tpu.dma_semaphore, #tpu.memory_space<semaphore_mem>>) src(%dma_wait3A_68 : memref<1024xf32, #tpu.memory_space<vmem>>) dst(%dma_wait3A_66 : memref<1024xf32, #tpu.memory_space<hbm>>)
      tpu.yield
    }) : () -> ()
    %add3A_17 = arith.constant 128 : i32
    %add3A_18 = arith.addi %add3A_17, %add3A : i32
    "tpu.region"() ({
      %run_scoped3A = tpu.sem_alloc : memref<!tpu.dma_semaphore, #tpu.memory_space<semaphore_mem>>
      %dma_start3A_49 = arith.constant 4096 : i32
      %dma_start3A_50 = tpu.memref_slice %arg6[%dma_start3A_49] : memref<20480xf32, #tpu.memory_space<vmem>> -> memref<1024xf32, #tpu.memory_space<vmem>>
      %dma_start3A_51 = arith.constant 0 : i32
      %dma_start3A_52 = tpu.memref_slice %arg4[%add3A_18, %dma_start3A_51] : memref<640x1024xf32, #tpu.memory_space<hbm>> -> memref<1x1024xf32, #tpu.memory_space<hbm>>
      %dma_start3A_53 = tpu.memref_squeeze %dma_start3A_52 : memref<1x1024xf32, #tpu.memory_space<hbm>> -> memref<1024xf32, #tpu.memory_space<hbm>>
      %dma_start3A_54 = arith.constant 0 : i32
      %dma_start3A_55 = tpu.memref_slice %arg4[%add3A_18, %dma_start3A_54] : memref<640x1024xf32, #tpu.memory_space<hbm>> -> memref<1x1024xf32, #tpu.memory_space<hbm>>
      %dma_start3A_56 = tpu.memref_squeeze %dma_start3A_55 : memref<1x1024xf32, #tpu.memory_space<hbm>> -> memref<1024xf32, #tpu.memory_space<hbm>>
      %dma_start3A_57 = arith.constant 4096 : i32
      %dma_start3A_58 = tpu.memref_slice %arg6[%dma_start3A_57] : memref<20480xf32, #tpu.memory_space<vmem>> -> memref<1024xf32, #tpu.memory_space<vmem>>
      tpu.enqueue_dma source(%dma_start3A_58 : memref<1024xf32, #tpu.memory_space<vmem>>) target(%dma_start3A_56 : memref<1024xf32, #tpu.memory_space<hbm>>) target_semaphore(%run_scoped3A : memref<!tpu.dma_semaphore, #tpu.memory_space<semaphore_mem>>)
      %dma_wait3A_59 = arith.constant 4096 : i32
      %dma_wait3A_60 = tpu.memref_slice %arg6[%dma_wait3A_59] : memref<20480xf32, #tpu.memory_space<vmem>> -> memref<1024xf32, #tpu.memory_space<vmem>>
      %dma_wait3A_61 = arith.constant 0 : i32
      %dma_wait3A_62 = tpu.memref_slice %arg4[%add3A_18, %dma_wait3A_61] : memref<640x1024xf32, #tpu.memory_space<hbm>> -> memref<1x1024xf32, #tpu.memory_space<hbm>>
      %dma_wait3A_63 = tpu.memref_squeeze %dma_wait3A_62 : memref<1x1024xf32, #tpu.memory_space<hbm>> -> memref<1024xf32, #tpu.memory_space<hbm>>
      %dma_wait3A_64 = arith.constant 0 : i32
      %dma_wait3A_65 = tpu.memref_slice %arg4[%add3A_18, %dma_wait3A_64] : memref<640x1024xf32, #tpu.memory_space<hbm>> -> memref<1x1024xf32, #tpu.memory_space<hbm>>
      %dma_wait3A_66 = tpu.memref_squeeze %dma_wait3A_65 : memref<1x1024xf32, #tpu.memory_space<hbm>> -> memref<1024xf32, #tpu.memory_space<hbm>>
      %dma_wait3A_67 = arith.constant 4096 : i32
      %dma_wait3A_68 = tpu.memref_slice %arg6[%dma_wait3A_67] : memref<20480xf32, #tpu.memory_space<vmem>> -> memref<1024xf32, #tpu.memory_space<vmem>>
      tpu.wait_dma2 semaphore(%run_scoped3A : memref<!tpu.dma_semaphore, #tpu.memory_space<semaphore_mem>>) src(%dma_wait3A_68 : memref<1024xf32, #tpu.memory_space<vmem>>) dst(%dma_wait3A_66 : memref<1024xf32, #tpu.memory_space<hbm>>)
      tpu.yield
    }) : () -> ()
    %add3A_19 = arith.constant 160 : i32
    %add3A_20 = arith.addi %add3A_19, %add3A : i32
    "tpu.region"() ({
      %run_scoped3A = tpu.sem_alloc : memref<!tpu.dma_semaphore, #tpu.memory_space<semaphore_mem>>
      %dma_start3A_49 = arith.constant 5120 : i32
      %dma_start3A_50 = tpu.memref_slice %arg6[%dma_start3A_49] : memref<20480xf32, #tpu.memory_space<vmem>> -> memref<1024xf32, #tpu.memory_space<vmem>>
      %dma_start3A_51 = arith.constant 0 : i32
      %dma_start3A_52 = tpu.memref_slice %arg4[%add3A_20, %dma_start3A_51] : memref<640x1024xf32, #tpu.memory_space<hbm>> -> memref<1x1024xf32, #tpu.memory_space<hbm>>
      %dma_start3A_53 = tpu.memref_squeeze %dma_start3A_52 : memref<1x1024xf32, #tpu.memory_space<hbm>> -> memref<1024xf32, #tpu.memory_space<hbm>>
      %dma_start3A_54 = arith.constant 0 : i32
      %dma_start3A_55 = tpu.memref_slice %arg4[%add3A_20, %dma_start3A_54] : memref<640x1024xf32, #tpu.memory_space<hbm>> -> memref<1x1024xf32, #tpu.memory_space<hbm>>
      %dma_start3A_56 = tpu.memref_squeeze %dma_start3A_55 : memref<1x1024xf32, #tpu.memory_space<hbm>> -> memref<1024xf32, #tpu.memory_space<hbm>>
      %dma_start3A_57 = arith.constant 5120 : i32
      %dma_start3A_58 = tpu.memref_slice %arg6[%dma_start3A_57] : memref<20480xf32, #tpu.memory_space<vmem>> -> memref<1024xf32, #tpu.memory_space<vmem>>
      tpu.enqueue_dma source(%dma_start3A_58 : memref<1024xf32, #tpu.memory_space<vmem>>) target(%dma_start3A_56 : memref<1024xf32, #tpu.memory_space<hbm>>) target_semaphore(%run_scoped3A : memref<!tpu.dma_semaphore, #tpu.memory_space<semaphore_mem>>)
      %dma_wait3A_59 = arith.constant 5120 : i32
      %dma_wait3A_60 = tpu.memref_slice %arg6[%dma_wait3A_59] : memref<20480xf32, #tpu.memory_space<vmem>> -> memref<1024xf32, #tpu.memory_space<vmem>>
      %dma_wait3A_61 = arith.constant 0 : i32
      %dma_wait3A_62 = tpu.memref_slice %arg4[%add3A_20, %dma_wait3A_61] : memref<640x1024xf32, #tpu.memory_space<hbm>> -> memref<1x1024xf32, #tpu.memory_space<hbm>>
      %dma_wait3A_63 = tpu.memref_squeeze %dma_wait3A_62 : memref<1x1024xf32, #tpu.memory_space<hbm>> -> memref<1024xf32, #tpu.memory_space<hbm>>
      %dma_wait3A_64 = arith.constant 0 : i32
      %dma_wait3A_65 = tpu.memref_slice %arg4[%add3A_20, %dma_wait3A_64] : memref<640x1024xf32, #tpu.memory_space<hbm>> -> memref<1x1024xf32, #tpu.memory_space<hbm>>
      %dma_wait3A_66 = tpu.memref_squeeze %dma_wait3A_65 : memref<1x1024xf32, #tpu.memory_space<hbm>> -> memref<1024xf32, #tpu.memory_space<hbm>>
      %dma_wait3A_67 = arith.constant 5120 : i32
      %dma_wait3A_68 = tpu.memref_slice %arg6[%dma_wait3A_67] : memref<20480xf32, #tpu.memory_space<vmem>> -> memref<1024xf32, #tpu.memory_space<vmem>>
      tpu.wait_dma2 semaphore(%run_scoped3A : memref<!tpu.dma_semaphore, #tpu.memory_space<semaphore_mem>>) src(%dma_wait3A_68 : memref<1024xf32, #tpu.memory_space<vmem>>) dst(%dma_wait3A_66 : memref<1024xf32, #tpu.memory_space<hbm>>)
      tpu.yield
    }) : () -> ()
    %add3A_21 = arith.constant 192 : i32
    %add3A_22 = arith.addi %add3A_21, %add3A : i32
    "tpu.region"() ({
      %run_scoped3A = tpu.sem_alloc : memref<!tpu.dma_semaphore, #tpu.memory_space<semaphore_mem>>
      %dma_start3A_49 = arith.constant 6144 : i32
      %dma_start3A_50 = tpu.memref_slice %arg6[%dma_start3A_49] : memref<20480xf32, #tpu.memory_space<vmem>> -> memref<1024xf32, #tpu.memory_space<vmem>>
      %dma_start3A_51 = arith.constant 0 : i32
      %dma_start3A_52 = tpu.memref_slice %arg4[%add3A_22, %dma_start3A_51] : memref<640x1024xf32, #tpu.memory_space<hbm>> -> memref<1x1024xf32, #tpu.memory_space<hbm>>
      %dma_start3A_53 = tpu.memref_squeeze %dma_start3A_52 : memref<1x1024xf32, #tpu.memory_space<hbm>> -> memref<1024xf32, #tpu.memory_space<hbm>>
      %dma_start3A_54 = arith.constant 0 : i32
      %dma_start3A_55 = tpu.memref_slice %arg4[%add3A_22, %dma_start3A_54] : memref<640x1024xf32, #tpu.memory_space<hbm>> -> memref<1x1024xf32, #tpu.memory_space<hbm>>
      %dma_start3A_56 = tpu.memref_squeeze %dma_start3A_55 : memref<1x1024xf32, #tpu.memory_space<hbm>> -> memref<1024xf32, #tpu.memory_space<hbm>>
      %dma_start3A_57 = arith.constant 6144 : i32
      %dma_start3A_58 = tpu.memref_slice %arg6[%dma_start3A_57] : memref<20480xf32, #tpu.memory_space<vmem>> -> memref<1024xf32, #tpu.memory_space<vmem>>
      tpu.enqueue_dma source(%dma_start3A_58 : memref<1024xf32, #tpu.memory_space<vmem>>) target(%dma_start3A_56 : memref<1024xf32, #tpu.memory_space<hbm>>) target_semaphore(%run_scoped3A : memref<!tpu.dma_semaphore, #tpu.memory_space<semaphore_mem>>)
      %dma_wait3A_59 = arith.constant 6144 : i32
      %dma_wait3A_60 = tpu.memref_slice %arg6[%dma_wait3A_59] : memref<20480xf32, #tpu.memory_space<vmem>> -> memref<1024xf32, #tpu.memory_space<vmem>>
      %dma_wait3A_61 = arith.constant 0 : i32
      %dma_wait3A_62 = tpu.memref_slice %arg4[%add3A_22, %dma_wait3A_61] : memref<640x1024xf32, #tpu.memory_space<hbm>> -> memref<1x1024xf32, #tpu.memory_space<hbm>>
      %dma_wait3A_63 = tpu.memref_squeeze %dma_wait3A_62 : memref<1x1024xf32, #tpu.memory_space<hbm>> -> memref<1024xf32, #tpu.memory_space<hbm>>
      %dma_wait3A_64 = arith.constant 0 : i32
      %dma_wait3A_65 = tpu.memref_slice %arg4[%add3A_22, %dma_wait3A_64] : memref<640x1024xf32, #tpu.memory_space<hbm>> -> memref<1x1024xf32, #tpu.memory_space<hbm>>
      %dma_wait3A_66 = tpu.memref_squeeze %dma_wait3A_65 : memref<1x1024xf32, #tpu.memory_space<hbm>> -> memref<1024xf32, #tpu.memory_space<hbm>>
      %dma_wait3A_67 = arith.constant 6144 : i32
      %dma_wait3A_68 = tpu.memref_slice %arg6[%dma_wait3A_67] : memref<20480xf32, #tpu.memory_space<vmem>> -> memref<1024xf32, #tpu.memory_space<vmem>>
      tpu.wait_dma2 semaphore(%run_scoped3A : memref<!tpu.dma_semaphore, #tpu.memory_space<semaphore_mem>>) src(%dma_wait3A_68 : memref<1024xf32, #tpu.memory_space<vmem>>) dst(%dma_wait3A_66 : memref<1024xf32, #tpu.memory_space<hbm>>)
      tpu.yield
    }) : () -> ()
    %add3A_23 = arith.constant 224 : i32
    %add3A_24 = arith.addi %add3A_23, %add3A : i32
    "tpu.region"() ({
      %run_scoped3A = tpu.sem_alloc : memref<!tpu.dma_semaphore, #tpu.memory_space<semaphore_mem>>
      %dma_start3A_49 = arith.constant 7168 : i32
      %dma_start3A_50 = tpu.memref_slice %arg6[%dma_start3A_49] : memref<20480xf32, #tpu.memory_space<vmem>> -> memref<1024xf32, #tpu.memory_space<vmem>>
      %dma_start3A_51 = arith.constant 0 : i32
      %dma_start3A_52 = tpu.memref_slice %arg4[%add3A_24, %dma_start3A_51] : memref<640x1024xf32, #tpu.memory_space<hbm>> -> memref<1x1024xf32, #tpu.memory_space<hbm>>
      %dma_start3A_53 = tpu.memref_squeeze %dma_start3A_52 : memref<1x1024xf32, #tpu.memory_space<hbm>> -> memref<1024xf32, #tpu.memory_space<hbm>>
      %dma_start3A_54 = arith.constant 0 : i32
      %dma_start3A_55 = tpu.memref_slice %arg4[%add3A_24, %dma_start3A_54] : memref<640x1024xf32, #tpu.memory_space<hbm>> -> memref<1x1024xf32, #tpu.memory_space<hbm>>
      %dma_start3A_56 = tpu.memref_squeeze %dma_start3A_55 : memref<1x1024xf32, #tpu.memory_space<hbm>> -> memref<1024xf32, #tpu.memory_space<hbm>>
      %dma_start3A_57 = arith.constant 7168 : i32
      %dma_start3A_58 = tpu.memref_slice %arg6[%dma_start3A_57] : memref<20480xf32, #tpu.memory_space<vmem>> -> memref<1024xf32, #tpu.memory_space<vmem>>
      tpu.enqueue_dma source(%dma_start3A_58 : memref<1024xf32, #tpu.memory_space<vmem>>) target(%dma_start3A_56 : memref<1024xf32, #tpu.memory_space<hbm>>) target_semaphore(%run_scoped3A : memref<!tpu.dma_semaphore, #tpu.memory_space<semaphore_mem>>)
      %dma_wait3A_59 = arith.constant 7168 : i32
      %dma_wait3A_60 = tpu.memref_slice %arg6[%dma_wait3A_59] : memref<20480xf32, #tpu.memory_space<vmem>> -> memref<1024xf32, #tpu.memory_space<vmem>>
      %dma_wait3A_61 = arith.constant 0 : i32
      %dma_wait3A_62 = tpu.memref_slice %arg4[%add3A_24, %dma_wait3A_61] : memref<640x1024xf32, #tpu.memory_space<hbm>> -> memref<1x1024xf32, #tpu.memory_space<hbm>>
      %dma_wait3A_63 = tpu.memref_squeeze %dma_wait3A_62 : memref<1x1024xf32, #tpu.memory_space<hbm>> -> memref<1024xf32, #tpu.memory_space<hbm>>
      %dma_wait3A_64 = arith.constant 0 : i32
      %dma_wait3A_65 = tpu.memref_slice %arg4[%add3A_24, %dma_wait3A_64] : memref<640x1024xf32, #tpu.memory_space<hbm>> -> memref<1x1024xf32, #tpu.memory_space<hbm>>
      %dma_wait3A_66 = tpu.memref_squeeze %dma_wait3A_65 : memref<1x1024xf32, #tpu.memory_space<hbm>> -> memref<1024xf32, #tpu.memory_space<hbm>>
      %dma_wait3A_67 = arith.constant 7168 : i32
      %dma_wait3A_68 = tpu.memref_slice %arg6[%dma_wait3A_67] : memref<20480xf32, #tpu.memory_space<vmem>> -> memref<1024xf32, #tpu.memory_space<vmem>>
      tpu.wait_dma2 semaphore(%run_scoped3A : memref<!tpu.dma_semaphore, #tpu.memory_space<semaphore_mem>>) src(%dma_wait3A_68 : memref<1024xf32, #tpu.memory_space<vmem>>) dst(%dma_wait3A_66 : memref<1024xf32, #tpu.memory_space<hbm>>)
      tpu.yield
    }) : () -> ()
    %add3A_25 = arith.constant 256 : i32
    %add3A_26 = arith.addi %add3A_25, %add3A : i32
    "tpu.region"() ({
      %run_scoped3A = tpu.sem_alloc : memref<!tpu.dma_semaphore, #tpu.memory_space<semaphore_mem>>
      %dma_start3A_49 = arith.constant 8192 : i32
      %dma_start3A_50 = tpu.memref_slice %arg6[%dma_start3A_49] : memref<20480xf32, #tpu.memory_space<vmem>> -> memref<1024xf32, #tpu.memory_space<vmem>>
      %dma_start3A_51 = arith.constant 0 : i32
      %dma_start3A_52 = tpu.memref_slice %arg4[%add3A_26, %dma_start3A_51] : memref<640x1024xf32, #tpu.memory_space<hbm>> -> memref<1x1024xf32, #tpu.memory_space<hbm>>
      %dma_start3A_53 = tpu.memref_squeeze %dma_start3A_52 : memref<1x1024xf32, #tpu.memory_space<hbm>> -> memref<1024xf32, #tpu.memory_space<hbm>>
      %dma_start3A_54 = arith.constant 0 : i32
      %dma_start3A_55 = tpu.memref_slice %arg4[%add3A_26, %dma_start3A_54] : memref<640x1024xf32, #tpu.memory_space<hbm>> -> memref<1x1024xf32, #tpu.memory_space<hbm>>
      %dma_start3A_56 = tpu.memref_squeeze %dma_start3A_55 : memref<1x1024xf32, #tpu.memory_space<hbm>> -> memref<1024xf32, #tpu.memory_space<hbm>>
      %dma_start3A_57 = arith.constant 8192 : i32
      %dma_start3A_58 = tpu.memref_slice %arg6[%dma_start3A_57] : memref<20480xf32, #tpu.memory_space<vmem>> -> memref<1024xf32, #tpu.memory_space<vmem>>
      tpu.enqueue_dma source(%dma_start3A_58 : memref<1024xf32, #tpu.memory_space<vmem>>) target(%dma_start3A_56 : memref<1024xf32, #tpu.memory_space<hbm>>) target_semaphore(%run_scoped3A : memref<!tpu.dma_semaphore, #tpu.memory_space<semaphore_mem>>)
      %dma_wait3A_59 = arith.constant 8192 : i32
      %dma_wait3A_60 = tpu.memref_slice %arg6[%dma_wait3A_59] : memref<20480xf32, #tpu.memory_space<vmem>> -> memref<1024xf32, #tpu.memory_space<vmem>>
      %dma_wait3A_61 = arith.constant 0 : i32
      %dma_wait3A_62 = tpu.memref_slice %arg4[%add3A_26, %dma_wait3A_61] : memref<640x1024xf32, #tpu.memory_space<hbm>> -> memref<1x1024xf32, #tpu.memory_space<hbm>>
      %dma_wait3A_63 = tpu.memref_squeeze %dma_wait3A_62 : memref<1x1024xf32, #tpu.memory_space<hbm>> -> memref<1024xf32, #tpu.memory_space<hbm>>
      %dma_wait3A_64 = arith.constant 0 : i32
      %dma_wait3A_65 = tpu.memref_slice %arg4[%add3A_26, %dma_wait3A_64] : memref<640x1024xf32, #tpu.memory_space<hbm>> -> memref<1x1024xf32, #tpu.memory_space<hbm>>
      %dma_wait3A_66 = tpu.memref_squeeze %dma_wait3A_65 : memref<1x1024xf32, #tpu.memory_space<hbm>> -> memref<1024xf32, #tpu.memory_space<hbm>>
      %dma_wait3A_67 = arith.constant 8192 : i32
      %dma_wait3A_68 = tpu.memref_slice %arg6[%dma_wait3A_67] : memref<20480xf32, #tpu.memory_space<vmem>> -> memref<1024xf32, #tpu.memory_space<vmem>>
      tpu.wait_dma2 semaphore(%run_scoped3A : memref<!tpu.dma_semaphore, #tpu.memory_space<semaphore_mem>>) src(%dma_wait3A_68 : memref<1024xf32, #tpu.memory_space<vmem>>) dst(%dma_wait3A_66 : memref<1024xf32, #tpu.memory_space<hbm>>)
      tpu.yield
    }) : () -> ()
    %add3A_27 = arith.constant 288 : i32
    %add3A_28 = arith.addi %add3A_27, %add3A : i32
    "tpu.region"() ({
      %run_scoped3A = tpu.sem_alloc : memref<!tpu.dma_semaphore, #tpu.memory_space<semaphore_mem>>
      %dma_start3A_49 = arith.constant 9216 : i32
      %dma_start3A_50 = tpu.memref_slice %arg6[%dma_start3A_49] : memref<20480xf32, #tpu.memory_space<vmem>> -> memref<1024xf32, #tpu.memory_space<vmem>>
      %dma_start3A_51 = arith.constant 0 : i32
      %dma_start3A_52 = tpu.memref_slice %arg4[%add3A_28, %dma_start3A_51] : memref<640x1024xf32, #tpu.memory_space<hbm>> -> memref<1x1024xf32, #tpu.memory_space<hbm>>
      %dma_start3A_53 = tpu.memref_squeeze %dma_start3A_52 : memref<1x1024xf32, #tpu.memory_space<hbm>> -> memref<1024xf32, #tpu.memory_space<hbm>>
      %dma_start3A_54 = arith.constant 0 : i32
      %dma_start3A_55 = tpu.memref_slice %arg4[%add3A_28, %dma_start3A_54] : memref<640x1024xf32, #tpu.memory_space<hbm>> -> memref<1x1024xf32, #tpu.memory_space<hbm>>
      %dma_start3A_56 = tpu.memref_squeeze %dma_start3A_55 : memref<1x1024xf32, #tpu.memory_space<hbm>> -> memref<1024xf32, #tpu.memory_space<hbm>>
      %dma_start3A_57 = arith.constant 9216 : i32
      %dma_start3A_58 = tpu.memref_slice %arg6[%dma_start3A_57] : memref<20480xf32, #tpu.memory_space<vmem>> -> memref<1024xf32, #tpu.memory_space<vmem>>
      tpu.enqueue_dma source(%dma_start3A_58 : memref<1024xf32, #tpu.memory_space<vmem>>) target(%dma_start3A_56 : memref<1024xf32, #tpu.memory_space<hbm>>) target_semaphore(%run_scoped3A : memref<!tpu.dma_semaphore, #tpu.memory_space<semaphore_mem>>)
      %dma_wait3A_59 = arith.constant 9216 : i32
      %dma_wait3A_60 = tpu.memref_slice %arg6[%dma_wait3A_59] : memref<20480xf32, #tpu.memory_space<vmem>> -> memref<1024xf32, #tpu.memory_space<vmem>>
      %dma_wait3A_61 = arith.constant 0 : i32
      %dma_wait3A_62 = tpu.memref_slice %arg4[%add3A_28, %dma_wait3A_61] : memref<640x1024xf32, #tpu.memory_space<hbm>> -> memref<1x1024xf32, #tpu.memory_space<hbm>>
      %dma_wait3A_63 = tpu.memref_squeeze %dma_wait3A_62 : memref<1x1024xf32, #tpu.memory_space<hbm>> -> memref<1024xf32, #tpu.memory_space<hbm>>
      %dma_wait3A_64 = arith.constant 0 : i32
      %dma_wait3A_65 = tpu.memref_slice %arg4[%add3A_28, %dma_wait3A_64] : memref<640x1024xf32, #tpu.memory_space<hbm>> -> memref<1x1024xf32, #tpu.memory_space<hbm>>
      %dma_wait3A_66 = tpu.memref_squeeze %dma_wait3A_65 : memref<1x1024xf32, #tpu.memory_space<hbm>> -> memref<1024xf32, #tpu.memory_space<hbm>>
      %dma_wait3A_67 = arith.constant 9216 : i32
      %dma_wait3A_68 = tpu.memref_slice %arg6[%dma_wait3A_67] : memref<20480xf32, #tpu.memory_space<vmem>> -> memref<1024xf32, #tpu.memory_space<vmem>>
      tpu.wait_dma2 semaphore(%run_scoped3A : memref<!tpu.dma_semaphore, #tpu.memory_space<semaphore_mem>>) src(%dma_wait3A_68 : memref<1024xf32, #tpu.memory_space<vmem>>) dst(%dma_wait3A_66 : memref<1024xf32, #tpu.memory_space<hbm>>)
      tpu.yield
    }) : () -> ()
    %add3A_29 = arith.constant 320 : i32
    %add3A_30 = arith.addi %add3A_29, %add3A : i32
    "tpu.region"() ({
      %run_scoped3A = tpu.sem_alloc : memref<!tpu.dma_semaphore, #tpu.memory_space<semaphore_mem>>
      %dma_start3A_49 = arith.constant 10240 : i32
      %dma_start3A_50 = tpu.memref_slice %arg6[%dma_start3A_49] : memref<20480xf32, #tpu.memory_space<vmem>> -> memref<1024xf32, #tpu.memory_space<vmem>>
      %dma_start3A_51 = arith.constant 0 : i32
      %dma_start3A_52 = tpu.memref_slice %arg4[%add3A_30, %dma_start3A_51] : memref<640x1024xf32, #tpu.memory_space<hbm>> -> memref<1x1024xf32, #tpu.memory_space<hbm>>
      %dma_start3A_53 = tpu.memref_squeeze %dma_start3A_52 : memref<1x1024xf32, #tpu.memory_space<hbm>> -> memref<1024xf32, #tpu.memory_space<hbm>>
      %dma_start3A_54 = arith.constant 0 : i32
      %dma_start3A_55 = tpu.memref_slice %arg4[%add3A_30, %dma_start3A_54] : memref<640x1024xf32, #tpu.memory_space<hbm>> -> memref<1x1024xf32, #tpu.memory_space<hbm>>
      %dma_start3A_56 = tpu.memref_squeeze %dma_start3A_55 : memref<1x1024xf32, #tpu.memory_space<hbm>> -> memref<1024xf32, #tpu.memory_space<hbm>>
      %dma_start3A_57 = arith.constant 10240 : i32
      %dma_start3A_58 = tpu.memref_slice %arg6[%dma_start3A_57] : memref<20480xf32, #tpu.memory_space<vmem>> -> memref<1024xf32, #tpu.memory_space<vmem>>
      tpu.enqueue_dma source(%dma_start3A_58 : memref<1024xf32, #tpu.memory_space<vmem>>) target(%dma_start3A_56 : memref<1024xf32, #tpu.memory_space<hbm>>) target_semaphore(%run_scoped3A : memref<!tpu.dma_semaphore, #tpu.memory_space<semaphore_mem>>)
      %dma_wait3A_59 = arith.constant 10240 : i32
      %dma_wait3A_60 = tpu.memref_slice %arg6[%dma_wait3A_59] : memref<20480xf32, #tpu.memory_space<vmem>> -> memref<1024xf32, #tpu.memory_space<vmem>>
      %dma_wait3A_61 = arith.constant 0 : i32
      %dma_wait3A_62 = tpu.memref_slice %arg4[%add3A_30, %dma_wait3A_61] : memref<640x1024xf32, #tpu.memory_space<hbm>> -> memref<1x1024xf32, #tpu.memory_space<hbm>>
      %dma_wait3A_63 = tpu.memref_squeeze %dma_wait3A_62 : memref<1x1024xf32, #tpu.memory_space<hbm>> -> memref<1024xf32, #tpu.memory_space<hbm>>
      %dma_wait3A_64 = arith.constant 0 : i32
      %dma_wait3A_65 = tpu.memref_slice %arg4[%add3A_30, %dma_wait3A_64] : memref<640x1024xf32, #tpu.memory_space<hbm>> -> memref<1x1024xf32, #tpu.memory_space<hbm>>
      %dma_wait3A_66 = tpu.memref_squeeze %dma_wait3A_65 : memref<1x1024xf32, #tpu.memory_space<hbm>> -> memref<1024xf32, #tpu.memory_space<hbm>>
      %dma_wait3A_67 = arith.constant 10240 : i32
      %dma_wait3A_68 = tpu.memref_slice %arg6[%dma_wait3A_67] : memref<20480xf32, #tpu.memory_space<vmem>> -> memref<1024xf32, #tpu.memory_space<vmem>>
      tpu.wait_dma2 semaphore(%run_scoped3A : memref<!tpu.dma_semaphore, #tpu.memory_space<semaphore_mem>>) src(%dma_wait3A_68 : memref<1024xf32, #tpu.memory_space<vmem>>) dst(%dma_wait3A_66 : memref<1024xf32, #tpu.memory_space<hbm>>)
      tpu.yield
    }) : () -> ()
    %add3A_31 = arith.constant 352 : i32
    %add3A_32 = arith.addi %add3A_31, %add3A : i32
    "tpu.region"() ({
      %run_scoped3A = tpu.sem_alloc : memref<!tpu.dma_semaphore, #tpu.memory_space<semaphore_mem>>
      %dma_start3A_49 = arith.constant 11264 : i32
      %dma_start3A_50 = tpu.memref_slice %arg6[%dma_start3A_49] : memref<20480xf32, #tpu.memory_space<vmem>> -> memref<1024xf32, #tpu.memory_space<vmem>>
      %dma_start3A_51 = arith.constant 0 : i32
      %dma_start3A_52 = tpu.memref_slice %arg4[%add3A_32, %dma_start3A_51] : memref<640x1024xf32, #tpu.memory_space<hbm>> -> memref<1x1024xf32, #tpu.memory_space<hbm>>
      %dma_start3A_53 = tpu.memref_squeeze %dma_start3A_52 : memref<1x1024xf32, #tpu.memory_space<hbm>> -> memref<1024xf32, #tpu.memory_space<hbm>>
      %dma_start3A_54 = arith.constant 0 : i32
      %dma_start3A_55 = tpu.memref_slice %arg4[%add3A_32, %dma_start3A_54] : memref<640x1024xf32, #tpu.memory_space<hbm>> -> memref<1x1024xf32, #tpu.memory_space<hbm>>
      %dma_start3A_56 = tpu.memref_squeeze %dma_start3A_55 : memref<1x1024xf32, #tpu.memory_space<hbm>> -> memref<1024xf32, #tpu.memory_space<hbm>>
      %dma_start3A_57 = arith.constant 11264 : i32
      %dma_start3A_58 = tpu.memref_slice %arg6[%dma_start3A_57] : memref<20480xf32, #tpu.memory_space<vmem>> -> memref<1024xf32, #tpu.memory_space<vmem>>
      tpu.enqueue_dma source(%dma_start3A_58 : memref<1024xf32, #tpu.memory_space<vmem>>) target(%dma_start3A_56 : memref<1024xf32, #tpu.memory_space<hbm>>) target_semaphore(%run_scoped3A : memref<!tpu.dma_semaphore, #tpu.memory_space<semaphore_mem>>)
      %dma_wait3A_59 = arith.constant 11264 : i32
      %dma_wait3A_60 = tpu.memref_slice %arg6[%dma_wait3A_59] : memref<20480xf32, #tpu.memory_space<vmem>> -> memref<1024xf32, #tpu.memory_space<vmem>>
      %dma_wait3A_61 = arith.constant 0 : i32
      %dma_wait3A_62 = tpu.memref_slice %arg4[%add3A_32, %dma_wait3A_61] : memref<640x1024xf32, #tpu.memory_space<hbm>> -> memref<1x1024xf32, #tpu.memory_space<hbm>>
      %dma_wait3A_63 = tpu.memref_squeeze %dma_wait3A_62 : memref<1x1024xf32, #tpu.memory_space<hbm>> -> memref<1024xf32, #tpu.memory_space<hbm>>
      %dma_wait3A_64 = arith.constant 0 : i32
      %dma_wait3A_65 = tpu.memref_slice %arg4[%add3A_32, %dma_wait3A_64] : memref<640x1024xf32, #tpu.memory_space<hbm>> -> memref<1x1024xf32, #tpu.memory_space<hbm>>
      %dma_wait3A_66 = tpu.memref_squeeze %dma_wait3A_65 : memref<1x1024xf32, #tpu.memory_space<hbm>> -> memref<1024xf32, #tpu.memory_space<hbm>>
      %dma_wait3A_67 = arith.constant 11264 : i32
      %dma_wait3A_68 = tpu.memref_slice %arg6[%dma_wait3A_67] : memref<20480xf32, #tpu.memory_space<vmem>> -> memref<1024xf32, #tpu.memory_space<vmem>>
      tpu.wait_dma2 semaphore(%run_scoped3A : memref<!tpu.dma_semaphore, #tpu.memory_space<semaphore_mem>>) src(%dma_wait3A_68 : memref<1024xf32, #tpu.memory_space<vmem>>) dst(%dma_wait3A_66 : memref<1024xf32, #tpu.memory_space<hbm>>)
      tpu.yield
    }) : () -> ()
    %add3A_33 = arith.constant 384 : i32
    %add3A_34 = arith.addi %add3A_33, %add3A : i32
    "tpu.region"() ({
      %run_scoped3A = tpu.sem_alloc : memref<!tpu.dma_semaphore, #tpu.memory_space<semaphore_mem>>
      %dma_start3A_49 = arith.constant 12288 : i32
      %dma_start3A_50 = tpu.memref_slice %arg6[%dma_start3A_49] : memref<20480xf32, #tpu.memory_space<vmem>> -> memref<1024xf32, #tpu.memory_space<vmem>>
      %dma_start3A_51 = arith.constant 0 : i32
      %dma_start3A_52 = tpu.memref_slice %arg4[%add3A_34, %dma_start3A_51] : memref<640x1024xf32, #tpu.memory_space<hbm>> -> memref<1x1024xf32, #tpu.memory_space<hbm>>
      %dma_start3A_53 = tpu.memref_squeeze %dma_start3A_52 : memref<1x1024xf32, #tpu.memory_space<hbm>> -> memref<1024xf32, #tpu.memory_space<hbm>>
      %dma_start3A_54 = arith.constant 0 : i32
      %dma_start3A_55 = tpu.memref_slice %arg4[%add3A_34, %dma_start3A_54] : memref<640x1024xf32, #tpu.memory_space<hbm>> -> memref<1x1024xf32, #tpu.memory_space<hbm>>
      %dma_start3A_56 = tpu.memref_squeeze %dma_start3A_55 : memref<1x1024xf32, #tpu.memory_space<hbm>> -> memref<1024xf32, #tpu.memory_space<hbm>>
      %dma_start3A_57 = arith.constant 12288 : i32
      %dma_start3A_58 = tpu.memref_slice %arg6[%dma_start3A_57] : memref<20480xf32, #tpu.memory_space<vmem>> -> memref<1024xf32, #tpu.memory_space<vmem>>
      tpu.enqueue_dma source(%dma_start3A_58 : memref<1024xf32, #tpu.memory_space<vmem>>) target(%dma_start3A_56 : memref<1024xf32, #tpu.memory_space<hbm>>) target_semaphore(%run_scoped3A : memref<!tpu.dma_semaphore, #tpu.memory_space<semaphore_mem>>)
      %dma_wait3A_59 = arith.constant 12288 : i32
      %dma_wait3A_60 = tpu.memref_slice %arg6[%dma_wait3A_59] : memref<20480xf32, #tpu.memory_space<vmem>> -> memref<1024xf32, #tpu.memory_space<vmem>>
      %dma_wait3A_61 = arith.constant 0 : i32
      %dma_wait3A_62 = tpu.memref_slice %arg4[%add3A_34, %dma_wait3A_61] : memref<640x1024xf32, #tpu.memory_space<hbm>> -> memref<1x1024xf32, #tpu.memory_space<hbm>>
      %dma_wait3A_63 = tpu.memref_squeeze %dma_wait3A_62 : memref<1x1024xf32, #tpu.memory_space<hbm>> -> memref<1024xf32, #tpu.memory_space<hbm>>
      %dma_wait3A_64 = arith.constant 0 : i32
      %dma_wait3A_65 = tpu.memref_slice %arg4[%add3A_34, %dma_wait3A_64] : memref<640x1024xf32, #tpu.memory_space<hbm>> -> memref<1x1024xf32, #tpu.memory_space<hbm>>
      %dma_wait3A_66 = tpu.memref_squeeze %dma_wait3A_65 : memref<1x1024xf32, #tpu.memory_space<hbm>> -> memref<1024xf32, #tpu.memory_space<hbm>>
      %dma_wait3A_67 = arith.constant 12288 : i32
      %dma_wait3A_68 = tpu.memref_slice %arg6[%dma_wait3A_67] : memref<20480xf32, #tpu.memory_space<vmem>> -> memref<1024xf32, #tpu.memory_space<vmem>>
      tpu.wait_dma2 semaphore(%run_scoped3A : memref<!tpu.dma_semaphore, #tpu.memory_space<semaphore_mem>>) src(%dma_wait3A_68 : memref<1024xf32, #tpu.memory_space<vmem>>) dst(%dma_wait3A_66 : memref<1024xf32, #tpu.memory_space<hbm>>)
      tpu.yield
    }) : () -> ()
    %add3A_35 = arith.constant 416 : i32
    %add3A_36 = arith.addi %add3A_35, %add3A : i32
    "tpu.region"() ({
      %run_scoped3A = tpu.sem_alloc : memref<!tpu.dma_semaphore, #tpu.memory_space<semaphore_mem>>
      %dma_start3A_49 = arith.constant 13312 : i32
      %dma_start3A_50 = tpu.memref_slice %arg6[%dma_start3A_49] : memref<20480xf32, #tpu.memory_space<vmem>> -> memref<1024xf32, #tpu.memory_space<vmem>>
      %dma_start3A_51 = arith.constant 0 : i32
      %dma_start3A_52 = tpu.memref_slice %arg4[%add3A_36, %dma_start3A_51] : memref<640x1024xf32, #tpu.memory_space<hbm>> -> memref<1x1024xf32, #tpu.memory_space<hbm>>
      %dma_start3A_53 = tpu.memref_squeeze %dma_start3A_52 : memref<1x1024xf32, #tpu.memory_space<hbm>> -> memref<1024xf32, #tpu.memory_space<hbm>>
      %dma_start3A_54 = arith.constant 0 : i32
      %dma_start3A_55 = tpu.memref_slice %arg4[%add3A_36, %dma_start3A_54] : memref<640x1024xf32, #tpu.memory_space<hbm>> -> memref<1x1024xf32, #tpu.memory_space<hbm>>
      %dma_start3A_56 = tpu.memref_squeeze %dma_start3A_55 : memref<1x1024xf32, #tpu.memory_space<hbm>> -> memref<1024xf32, #tpu.memory_space<hbm>>
      %dma_start3A_57 = arith.constant 13312 : i32
      %dma_start3A_58 = tpu.memref_slice %arg6[%dma_start3A_57] : memref<20480xf32, #tpu.memory_space<vmem>> -> memref<1024xf32, #tpu.memory_space<vmem>>
      tpu.enqueue_dma source(%dma_start3A_58 : memref<1024xf32, #tpu.memory_space<vmem>>) target(%dma_start3A_56 : memref<1024xf32, #tpu.memory_space<hbm>>) target_semaphore(%run_scoped3A : memref<!tpu.dma_semaphore, #tpu.memory_space<semaphore_mem>>)
      %dma_wait3A_59 = arith.constant 13312 : i32
      %dma_wait3A_60 = tpu.memref_slice %arg6[%dma_wait3A_59] : memref<20480xf32, #tpu.memory_space<vmem>> -> memref<1024xf32, #tpu.memory_space<vmem>>
      %dma_wait3A_61 = arith.constant 0 : i32
      %dma_wait3A_62 = tpu.memref_slice %arg4[%add3A_36, %dma_wait3A_61] : memref<640x1024xf32, #tpu.memory_space<hbm>> -> memref<1x1024xf32, #tpu.memory_space<hbm>>
      %dma_wait3A_63 = tpu.memref_squeeze %dma_wait3A_62 : memref<1x1024xf32, #tpu.memory_space<hbm>> -> memref<1024xf32, #tpu.memory_space<hbm>>
      %dma_wait3A_64 = arith.constant 0 : i32
      %dma_wait3A_65 = tpu.memref_slice %arg4[%add3A_36, %dma_wait3A_64] : memref<640x1024xf32, #tpu.memory_space<hbm>> -> memref<1x1024xf32, #tpu.memory_space<hbm>>
      %dma_wait3A_66 = tpu.memref_squeeze %dma_wait3A_65 : memref<1x1024xf32, #tpu.memory_space<hbm>> -> memref<1024xf32, #tpu.memory_space<hbm>>
      %dma_wait3A_67 = arith.constant 13312 : i32
      %dma_wait3A_68 = tpu.memref_slice %arg6[%dma_wait3A_67] : memref<20480xf32, #tpu.memory_space<vmem>> -> memref<1024xf32, #tpu.memory_space<vmem>>
      tpu.wait_dma2 semaphore(%run_scoped3A : memref<!tpu.dma_semaphore, #tpu.memory_space<semaphore_mem>>) src(%dma_wait3A_68 : memref<1024xf32, #tpu.memory_space<vmem>>) dst(%dma_wait3A_66 : memref<1024xf32, #tpu.memory_space<hbm>>)
      tpu.yield
    }) : () -> ()
    %add3A_37 = arith.constant 448 : i32
    %add3A_38 = arith.addi %add3A_37, %add3A : i32
    "tpu.region"() ({
      %run_scoped3A = tpu.sem_alloc : memref<!tpu.dma_semaphore, #tpu.memory_space<semaphore_mem>>
      %dma_start3A_49 = arith.constant 14336 : i32
      %dma_start3A_50 = tpu.memref_slice %arg6[%dma_start3A_49] : memref<20480xf32, #tpu.memory_space<vmem>> -> memref<1024xf32, #tpu.memory_space<vmem>>
      %dma_start3A_51 = arith.constant 0 : i32
      %dma_start3A_52 = tpu.memref_slice %arg4[%add3A_38, %dma_start3A_51] : memref<640x1024xf32, #tpu.memory_space<hbm>> -> memref<1x1024xf32, #tpu.memory_space<hbm>>
      %dma_start3A_53 = tpu.memref_squeeze %dma_start3A_52 : memref<1x1024xf32, #tpu.memory_space<hbm>> -> memref<1024xf32, #tpu.memory_space<hbm>>
      %dma_start3A_54 = arith.constant 0 : i32
      %dma_start3A_55 = tpu.memref_slice %arg4[%add3A_38, %dma_start3A_54] : memref<640x1024xf32, #tpu.memory_space<hbm>> -> memref<1x1024xf32, #tpu.memory_space<hbm>>
      %dma_start3A_56 = tpu.memref_squeeze %dma_start3A_55 : memref<1x1024xf32, #tpu.memory_space<hbm>> -> memref<1024xf32, #tpu.memory_space<hbm>>
      %dma_start3A_57 = arith.constant 14336 : i32
      %dma_start3A_58 = tpu.memref_slice %arg6[%dma_start3A_57] : memref<20480xf32, #tpu.memory_space<vmem>> -> memref<1024xf32, #tpu.memory_space<vmem>>
      tpu.enqueue_dma source(%dma_start3A_58 : memref<1024xf32, #tpu.memory_space<vmem>>) target(%dma_start3A_56 : memref<1024xf32, #tpu.memory_space<hbm>>) target_semaphore(%run_scoped3A : memref<!tpu.dma_semaphore, #tpu.memory_space<semaphore_mem>>)
      %dma_wait3A_59 = arith.constant 14336 : i32
      %dma_wait3A_60 = tpu.memref_slice %arg6[%dma_wait3A_59] : memref<20480xf32, #tpu.memory_space<vmem>> -> memref<1024xf32, #tpu.memory_space<vmem>>
      %dma_wait3A_61 = arith.constant 0 : i32
      %dma_wait3A_62 = tpu.memref_slice %arg4[%add3A_38, %dma_wait3A_61] : memref<640x1024xf32, #tpu.memory_space<hbm>> -> memref<1x1024xf32, #tpu.memory_space<hbm>>
      %dma_wait3A_63 = tpu.memref_squeeze %dma_wait3A_62 : memref<1x1024xf32, #tpu.memory_space<hbm>> -> memref<1024xf32, #tpu.memory_space<hbm>>
      %dma_wait3A_64 = arith.constant 0 : i32
      %dma_wait3A_65 = tpu.memref_slice %arg4[%add3A_38, %dma_wait3A_64] : memref<640x1024xf32, #tpu.memory_space<hbm>> -> memref<1x1024xf32, #tpu.memory_space<hbm>>
      %dma_wait3A_66 = tpu.memref_squeeze %dma_wait3A_65 : memref<1x1024xf32, #tpu.memory_space<hbm>> -> memref<1024xf32, #tpu.memory_space<hbm>>
      %dma_wait3A_67 = arith.constant 14336 : i32
      %dma_wait3A_68 = tpu.memref_slice %arg6[%dma_wait3A_67] : memref<20480xf32, #tpu.memory_space<vmem>> -> memref<1024xf32, #tpu.memory_space<vmem>>
      tpu.wait_dma2 semaphore(%run_scoped3A : memref<!tpu.dma_semaphore, #tpu.memory_space<semaphore_mem>>) src(%dma_wait3A_68 : memref<1024xf32, #tpu.memory_space<vmem>>) dst(%dma_wait3A_66 : memref<1024xf32, #tpu.memory_space<hbm>>)
      tpu.yield
    }) : () -> ()
    %add3A_39 = arith.constant 480 : i32
    %add3A_40 = arith.addi %add3A_39, %add3A : i32
    "tpu.region"() ({
      %run_scoped3A = tpu.sem_alloc : memref<!tpu.dma_semaphore, #tpu.memory_space<semaphore_mem>>
      %dma_start3A_49 = arith.constant 15360 : i32
      %dma_start3A_50 = tpu.memref_slice %arg6[%dma_start3A_49] : memref<20480xf32, #tpu.memory_space<vmem>> -> memref<1024xf32, #tpu.memory_space<vmem>>
      %dma_start3A_51 = arith.constant 0 : i32
      %dma_start3A_52 = tpu.memref_slice %arg4[%add3A_40, %dma_start3A_51] : memref<640x1024xf32, #tpu.memory_space<hbm>> -> memref<1x1024xf32, #tpu.memory_space<hbm>>
      %dma_start3A_53 = tpu.memref_squeeze %dma_start3A_52 : memref<1x1024xf32, #tpu.memory_space<hbm>> -> memref<1024xf32, #tpu.memory_space<hbm>>
      %dma_start3A_54 = arith.constant 0 : i32
      %dma_start3A_55 = tpu.memref_slice %arg4[%add3A_40, %dma_start3A_54] : memref<640x1024xf32, #tpu.memory_space<hbm>> -> memref<1x1024xf32, #tpu.memory_space<hbm>>
      %dma_start3A_56 = tpu.memref_squeeze %dma_start3A_55 : memref<1x1024xf32, #tpu.memory_space<hbm>> -> memref<1024xf32, #tpu.memory_space<hbm>>
      %dma_start3A_57 = arith.constant 15360 : i32
      %dma_start3A_58 = tpu.memref_slice %arg6[%dma_start3A_57] : memref<20480xf32, #tpu.memory_space<vmem>> -> memref<1024xf32, #tpu.memory_space<vmem>>
      tpu.enqueue_dma source(%dma_start3A_58 : memref<1024xf32, #tpu.memory_space<vmem>>) target(%dma_start3A_56 : memref<1024xf32, #tpu.memory_space<hbm>>) target_semaphore(%run_scoped3A : memref<!tpu.dma_semaphore, #tpu.memory_space<semaphore_mem>>)
      %dma_wait3A_59 = arith.constant 15360 : i32
      %dma_wait3A_60 = tpu.memref_slice %arg6[%dma_wait3A_59] : memref<20480xf32, #tpu.memory_space<vmem>> -> memref<1024xf32, #tpu.memory_space<vmem>>
      %dma_wait3A_61 = arith.constant 0 : i32
      %dma_wait3A_62 = tpu.memref_slice %arg4[%add3A_40, %dma_wait3A_61] : memref<640x1024xf32, #tpu.memory_space<hbm>> -> memref<1x1024xf32, #tpu.memory_space<hbm>>
      %dma_wait3A_63 = tpu.memref_squeeze %dma_wait3A_62 : memref<1x1024xf32, #tpu.memory_space<hbm>> -> memref<1024xf32, #tpu.memory_space<hbm>>
      %dma_wait3A_64 = arith.constant 0 : i32
      %dma_wait3A_65 = tpu.memref_slice %arg4[%add3A_40, %dma_wait3A_64] : memref<640x1024xf32, #tpu.memory_space<hbm>> -> memref<1x1024xf32, #tpu.memory_space<hbm>>
      %dma_wait3A_66 = tpu.memref_squeeze %dma_wait3A_65 : memref<1x1024xf32, #tpu.memory_space<hbm>> -> memref<1024xf32, #tpu.memory_space<hbm>>
      %dma_wait3A_67 = arith.constant 15360 : i32
      %dma_wait3A_68 = tpu.memref_slice %arg6[%dma_wait3A_67] : memref<20480xf32, #tpu.memory_space<vmem>> -> memref<1024xf32, #tpu.memory_space<vmem>>
      tpu.wait_dma2 semaphore(%run_scoped3A : memref<!tpu.dma_semaphore, #tpu.memory_space<semaphore_mem>>) src(%dma_wait3A_68 : memref<1024xf32, #tpu.memory_space<vmem>>) dst(%dma_wait3A_66 : memref<1024xf32, #tpu.memory_space<hbm>>)
      tpu.yield
    }) : () -> ()
    %add3A_41 = arith.constant 512 : i32
    %add3A_42 = arith.addi %add3A_41, %add3A : i32
    "tpu.region"() ({
      %run_scoped3A = tpu.sem_alloc : memref<!tpu.dma_semaphore, #tpu.memory_space<semaphore_mem>>
      %dma_start3A_49 = arith.constant 16384 : i32
      %dma_start3A_50 = tpu.memref_slice %arg6[%dma_start3A_49] : memref<20480xf32, #tpu.memory_space<vmem>> -> memref<1024xf32, #tpu.memory_space<vmem>>
      %dma_start3A_51 = arith.constant 0 : i32
      %dma_start3A_52 = tpu.memref_slice %arg4[%add3A_42, %dma_start3A_51] : memref<640x1024xf32, #tpu.memory_space<hbm>> -> memref<1x1024xf32, #tpu.memory_space<hbm>>
      %dma_start3A_53 = tpu.memref_squeeze %dma_start3A_52 : memref<1x1024xf32, #tpu.memory_space<hbm>> -> memref<1024xf32, #tpu.memory_space<hbm>>
      %dma_start3A_54 = arith.constant 0 : i32
      %dma_start3A_55 = tpu.memref_slice %arg4[%add3A_42, %dma_start3A_54] : memref<640x1024xf32, #tpu.memory_space<hbm>> -> memref<1x1024xf32, #tpu.memory_space<hbm>>
      %dma_start3A_56 = tpu.memref_squeeze %dma_start3A_55 : memref<1x1024xf32, #tpu.memory_space<hbm>> -> memref<1024xf32, #tpu.memory_space<hbm>>
      %dma_start3A_57 = arith.constant 16384 : i32
      %dma_start3A_58 = tpu.memref_slice %arg6[%dma_start3A_57] : memref<20480xf32, #tpu.memory_space<vmem>> -> memref<1024xf32, #tpu.memory_space<vmem>>
      tpu.enqueue_dma source(%dma_start3A_58 : memref<1024xf32, #tpu.memory_space<vmem>>) target(%dma_start3A_56 : memref<1024xf32, #tpu.memory_space<hbm>>) target_semaphore(%run_scoped3A : memref<!tpu.dma_semaphore, #tpu.memory_space<semaphore_mem>>)
      %dma_wait3A_59 = arith.constant 16384 : i32
      %dma_wait3A_60 = tpu.memref_slice %arg6[%dma_wait3A_59] : memref<20480xf32, #tpu.memory_space<vmem>> -> memref<1024xf32, #tpu.memory_space<vmem>>
      %dma_wait3A_61 = arith.constant 0 : i32
      %dma_wait3A_62 = tpu.memref_slice %arg4[%add3A_42, %dma_wait3A_61] : memref<640x1024xf32, #tpu.memory_space<hbm>> -> memref<1x1024xf32, #tpu.memory_space<hbm>>
      %dma_wait3A_63 = tpu.memref_squeeze %dma_wait3A_62 : memref<1x1024xf32, #tpu.memory_space<hbm>> -> memref<1024xf32, #tpu.memory_space<hbm>>
      %dma_wait3A_64 = arith.constant 0 : i32
      %dma_wait3A_65 = tpu.memref_slice %arg4[%add3A_42, %dma_wait3A_64] : memref<640x1024xf32, #tpu.memory_space<hbm>> -> memref<1x1024xf32, #tpu.memory_space<hbm>>
      %dma_wait3A_66 = tpu.memref_squeeze %dma_wait3A_65 : memref<1x1024xf32, #tpu.memory_space<hbm>> -> memref<1024xf32, #tpu.memory_space<hbm>>
      %dma_wait3A_67 = arith.constant 16384 : i32
      %dma_wait3A_68 = tpu.memref_slice %arg6[%dma_wait3A_67] : memref<20480xf32, #tpu.memory_space<vmem>> -> memref<1024xf32, #tpu.memory_space<vmem>>
      tpu.wait_dma2 semaphore(%run_scoped3A : memref<!tpu.dma_semaphore, #tpu.memory_space<semaphore_mem>>) src(%dma_wait3A_68 : memref<1024xf32, #tpu.memory_space<vmem>>) dst(%dma_wait3A_66 : memref<1024xf32, #tpu.memory_space<hbm>>)
      tpu.yield
    }) : () -> ()
    %add3A_43 = arith.constant 544 : i32
    %add3A_44 = arith.addi %add3A_43, %add3A : i32
    "tpu.region"() ({
      %run_scoped3A = tpu.sem_alloc : memref<!tpu.dma_semaphore, #tpu.memory_space<semaphore_mem>>
      %dma_start3A_49 = arith.constant 17408 : i32
      %dma_start3A_50 = tpu.memref_slice %arg6[%dma_start3A_49] : memref<20480xf32, #tpu.memory_space<vmem>> -> memref<1024xf32, #tpu.memory_space<vmem>>
      %dma_start3A_51 = arith.constant 0 : i32
      %dma_start3A_52 = tpu.memref_slice %arg4[%add3A_44, %dma_start3A_51] : memref<640x1024xf32, #tpu.memory_space<hbm>> -> memref<1x1024xf32, #tpu.memory_space<hbm>>
      %dma_start3A_53 = tpu.memref_squeeze %dma_start3A_52 : memref<1x1024xf32, #tpu.memory_space<hbm>> -> memref<1024xf32, #tpu.memory_space<hbm>>
      %dma_start3A_54 = arith.constant 0 : i32
      %dma_start3A_55 = tpu.memref_slice %arg4[%add3A_44, %dma_start3A_54] : memref<640x1024xf32, #tpu.memory_space<hbm>> -> memref<1x1024xf32, #tpu.memory_space<hbm>>
      %dma_start3A_56 = tpu.memref_squeeze %dma_start3A_55 : memref<1x1024xf32, #tpu.memory_space<hbm>> -> memref<1024xf32, #tpu.memory_space<hbm>>
      %dma_start3A_57 = arith.constant 17408 : i32
      %dma_start3A_58 = tpu.memref_slice %arg6[%dma_start3A_57] : memref<20480xf32, #tpu.memory_space<vmem>> -> memref<1024xf32, #tpu.memory_space<vmem>>
      tpu.enqueue_dma source(%dma_start3A_58 : memref<1024xf32, #tpu.memory_space<vmem>>) target(%dma_start3A_56 : memref<1024xf32, #tpu.memory_space<hbm>>) target_semaphore(%run_scoped3A : memref<!tpu.dma_semaphore, #tpu.memory_space<semaphore_mem>>)
      %dma_wait3A_59 = arith.constant 17408 : i32
      %dma_wait3A_60 = tpu.memref_slice %arg6[%dma_wait3A_59] : memref<20480xf32, #tpu.memory_space<vmem>> -> memref<1024xf32, #tpu.memory_space<vmem>>
      %dma_wait3A_61 = arith.constant 0 : i32
      %dma_wait3A_62 = tpu.memref_slice %arg4[%add3A_44, %dma_wait3A_61] : memref<640x1024xf32, #tpu.memory_space<hbm>> -> memref<1x1024xf32, #tpu.memory_space<hbm>>
      %dma_wait3A_63 = tpu.memref_squeeze %dma_wait3A_62 : memref<1x1024xf32, #tpu.memory_space<hbm>> -> memref<1024xf32, #tpu.memory_space<hbm>>
      %dma_wait3A_64 = arith.constant 0 : i32
      %dma_wait3A_65 = tpu.memref_slice %arg4[%add3A_44, %dma_wait3A_64] : memref<640x1024xf32, #tpu.memory_space<hbm>> -> memref<1x1024xf32, #tpu.memory_space<hbm>>
      %dma_wait3A_66 = tpu.memref_squeeze %dma_wait3A_65 : memref<1x1024xf32, #tpu.memory_space<hbm>> -> memref<1024xf32, #tpu.memory_space<hbm>>
      %dma_wait3A_67 = arith.constant 17408 : i32
      %dma_wait3A_68 = tpu.memref_slice %arg6[%dma_wait3A_67] : memref<20480xf32, #tpu.memory_space<vmem>> -> memref<1024xf32, #tpu.memory_space<vmem>>
      tpu.wait_dma2 semaphore(%run_scoped3A : memref<!tpu.dma_semaphore, #tpu.memory_space<semaphore_mem>>) src(%dma_wait3A_68 : memref<1024xf32, #tpu.memory_space<vmem>>) dst(%dma_wait3A_66 : memref<1024xf32, #tpu.memory_space<hbm>>)
      tpu.yield
    }) : () -> ()
    %add3A_45 = arith.constant 576 : i32
    %add3A_46 = arith.addi %add3A_45, %add3A : i32
    "tpu.region"() ({
      %run_scoped3A = tpu.sem_alloc : memref<!tpu.dma_semaphore, #tpu.memory_space<semaphore_mem>>
      %dma_start3A_49 = arith.constant 18432 : i32
      %dma_start3A_50 = tpu.memref_slice %arg6[%dma_start3A_49] : memref<20480xf32, #tpu.memory_space<vmem>> -> memref<1024xf32, #tpu.memory_space<vmem>>
      %dma_start3A_51 = arith.constant 0 : i32
      %dma_start3A_52 = tpu.memref_slice %arg4[%add3A_46, %dma_start3A_51] : memref<640x1024xf32, #tpu.memory_space<hbm>> -> memref<1x1024xf32, #tpu.memory_space<hbm>>
      %dma_start3A_53 = tpu.memref_squeeze %dma_start3A_52 : memref<1x1024xf32, #tpu.memory_space<hbm>> -> memref<1024xf32, #tpu.memory_space<hbm>>
      %dma_start3A_54 = arith.constant 0 : i32
      %dma_start3A_55 = tpu.memref_slice %arg4[%add3A_46, %dma_start3A_54] : memref<640x1024xf32, #tpu.memory_space<hbm>> -> memref<1x1024xf32, #tpu.memory_space<hbm>>
      %dma_start3A_56 = tpu.memref_squeeze %dma_start3A_55 : memref<1x1024xf32, #tpu.memory_space<hbm>> -> memref<1024xf32, #tpu.memory_space<hbm>>
      %dma_start3A_57 = arith.constant 18432 : i32
      %dma_start3A_58 = tpu.memref_slice %arg6[%dma_start3A_57] : memref<20480xf32, #tpu.memory_space<vmem>> -> memref<1024xf32, #tpu.memory_space<vmem>>
      tpu.enqueue_dma source(%dma_start3A_58 : memref<1024xf32, #tpu.memory_space<vmem>>) target(%dma_start3A_56 : memref<1024xf32, #tpu.memory_space<hbm>>) target_semaphore(%run_scoped3A : memref<!tpu.dma_semaphore, #tpu.memory_space<semaphore_mem>>)
      %dma_wait3A_59 = arith.constant 18432 : i32
      %dma_wait3A_60 = tpu.memref_slice %arg6[%dma_wait3A_59] : memref<20480xf32, #tpu.memory_space<vmem>> -> memref<1024xf32, #tpu.memory_space<vmem>>
      %dma_wait3A_61 = arith.constant 0 : i32
      %dma_wait3A_62 = tpu.memref_slice %arg4[%add3A_46, %dma_wait3A_61] : memref<640x1024xf32, #tpu.memory_space<hbm>> -> memref<1x1024xf32, #tpu.memory_space<hbm>>
      %dma_wait3A_63 = tpu.memref_squeeze %dma_wait3A_62 : memref<1x1024xf32, #tpu.memory_space<hbm>> -> memref<1024xf32, #tpu.memory_space<hbm>>
      %dma_wait3A_64 = arith.constant 0 : i32
      %dma_wait3A_65 = tpu.memref_slice %arg4[%add3A_46, %dma_wait3A_64] : memref<640x1024xf32, #tpu.memory_space<hbm>> -> memref<1x1024xf32, #tpu.memory_space<hbm>>
      %dma_wait3A_66 = tpu.memref_squeeze %dma_wait3A_65 : memref<1x1024xf32, #tpu.memory_space<hbm>> -> memref<1024xf32, #tpu.memory_space<hbm>>
      %dma_wait3A_67 = arith.constant 18432 : i32
      %dma_wait3A_68 = tpu.memref_slice %arg6[%dma_wait3A_67] : memref<20480xf32, #tpu.memory_space<vmem>> -> memref<1024xf32, #tpu.memory_space<vmem>>
      tpu.wait_dma2 semaphore(%run_scoped3A : memref<!tpu.dma_semaphore, #tpu.memory_space<semaphore_mem>>) src(%dma_wait3A_68 : memref<1024xf32, #tpu.memory_space<vmem>>) dst(%dma_wait3A_66 : memref<1024xf32, #tpu.memory_space<hbm>>)
      tpu.yield
    }) : () -> ()
    %add3A_47 = arith.constant 608 : i32
    %add3A_48 = arith.addi %add3A_47, %add3A : i32
    "tpu.region"() ({
      %run_scoped3A = tpu.sem_alloc : memref<!tpu.dma_semaphore, #tpu.memory_space<semaphore_mem>>
      %dma_start3A_49 = arith.constant 19456 : i32
      %dma_start3A_50 = tpu.memref_slice %arg6[%dma_start3A_49] : memref<20480xf32, #tpu.memory_space<vmem>> -> memref<1024xf32, #tpu.memory_space<vmem>>
      %dma_start3A_51 = arith.constant 0 : i32
      %dma_start3A_52 = tpu.memref_slice %arg4[%add3A_48, %dma_start3A_51] : memref<640x1024xf32, #tpu.memory_space<hbm>> -> memref<1x1024xf32, #tpu.memory_space<hbm>>
      %dma_start3A_53 = tpu.memref_squeeze %dma_start3A_52 : memref<1x1024xf32, #tpu.memory_space<hbm>> -> memref<1024xf32, #tpu.memory_space<hbm>>
      %dma_start3A_54 = arith.constant 0 : i32
      %dma_start3A_55 = tpu.memref_slice %arg4[%add3A_48, %dma_start3A_54] : memref<640x1024xf32, #tpu.memory_space<hbm>> -> memref<1x1024xf32, #tpu.memory_space<hbm>>
      %dma_start3A_56 = tpu.memref_squeeze %dma_start3A_55 : memref<1x1024xf32, #tpu.memory_space<hbm>> -> memref<1024xf32, #tpu.memory_space<hbm>>
      %dma_start3A_57 = arith.constant 19456 : i32
      %dma_start3A_58 = tpu.memref_slice %arg6[%dma_start3A_57] : memref<20480xf32, #tpu.memory_space<vmem>> -> memref<1024xf32, #tpu.memory_space<vmem>>
      tpu.enqueue_dma source(%dma_start3A_58 : memref<1024xf32, #tpu.memory_space<vmem>>) target(%dma_start3A_56 : memref<1024xf32, #tpu.memory_space<hbm>>) target_semaphore(%run_scoped3A : memref<!tpu.dma_semaphore, #tpu.memory_space<semaphore_mem>>)
      %dma_wait3A_59 = arith.constant 19456 : i32
      %dma_wait3A_60 = tpu.memref_slice %arg6[%dma_wait3A_59] : memref<20480xf32, #tpu.memory_space<vmem>> -> memref<1024xf32, #tpu.memory_space<vmem>>
      %dma_wait3A_61 = arith.constant 0 : i32
      %dma_wait3A_62 = tpu.memref_slice %arg4[%add3A_48, %dma_wait3A_61] : memref<640x1024xf32, #tpu.memory_space<hbm>> -> memref<1x1024xf32, #tpu.memory_space<hbm>>
      %dma_wait3A_63 = tpu.memref_squeeze %dma_wait3A_62 : memref<1x1024xf32, #tpu.memory_space<hbm>> -> memref<1024xf32, #tpu.memory_space<hbm>>
      %dma_wait3A_64 = arith.constant 0 : i32
      %dma_wait3A_65 = tpu.memref_slice %arg4[%add3A_48, %dma_wait3A_64] : memref<640x1024xf32, #tpu.memory_space<hbm>> -> memref<1x1024xf32, #tpu.memory_space<hbm>>
      %dma_wait3A_66 = tpu.memref_squeeze %dma_wait3A_65 : memref<1x1024xf32, #tpu.memory_space<hbm>> -> memref<1024xf32, #tpu.memory_space<hbm>>
      %dma_wait3A_67 = arith.constant 19456 : i32
      %dma_wait3A_68 = tpu.memref_slice %arg6[%dma_wait3A_67] : memref<20480xf32, #tpu.memory_space<vmem>> -> memref<1024xf32, #tpu.memory_space<vmem>>
      tpu.wait_dma2 semaphore(%run_scoped3A : memref<!tpu.dma_semaphore, #tpu.memory_space<semaphore_mem>>) src(%dma_wait3A_68 : memref<1024xf32, #tpu.memory_space<vmem>>) dst(%dma_wait3A_66 : memref<1024xf32, #tpu.memory_space<hbm>>)
      tpu.yield
    }) : () -> ()
    return
  }
}

module attributes {stable_mosaic.version = 14 : i64} {
  func.func @_mlp_body(%arg0: i32, %arg1: memref<640x1024xf32, #tpu.memory_space<vmem>>, %arg2: memref<640x512xf32, #tpu.memory_space<vmem>>, %arg3: memref<512x1xf32, #tpu.memory_space<vmem>>, %arg4: memref<2048x512xf32, #tpu.memory_space<vmem>>, %arg5: memref<1x2048xf32, #tpu.memory_space<vmem>>, %arg6: memref<2048x1024xf32, #tpu.memory_space<vmem>>, %arg7: memref<512x1024xbf16, #tpu.memory_space<vmem>>) attributes {dimension_semantics = [#tpu.dimension_semantics<arbitrary>], iteration_bounds = array<i64: 49>, scalar_prefetch = 0 : i64, scratch_operands = 1 : i64, tpu.core_type = #tpu.core_type<tc>, window_params = [{pipeline_mode = #tpu.pipeline_mode<synchronous>, transform_indices = @transform_0, window_bounds = array<i64: 640, 1024>}, {pipeline_mode = #tpu.pipeline_mode<synchronous>, transform_indices = @transform_1, window_bounds = array<i64: 640, 512>}, {pipeline_mode = #tpu.pipeline_mode<synchronous>, transform_indices = @transform_2, window_bounds = array<i64: 512, 1>}, {transform_indices = @transform_3, window_bounds = array<i64: 2048, 512>}, {transform_indices = @transform_4, window_bounds = array<i64: 1, 2048>}, {transform_indices = @transform_5, window_bounds = array<i64: 2048, 1024>}]} {
    %eq3A = arith.constant 0 : i32
    %eq3A_0 = arith.cmpi eq, %arg0, %eq3A : i32
    %convert_element_type3A = arith.extui %eq3A_0 : i1 to i32
    %cond3A = arith.constant 0 : i32
    %cond3A_1 = arith.cmpi ne, %convert_element_type3A, %cond3A : i32
    scf.if %cond3A_1 {
      %get3A_18 = arith.constant 0 : index
      %get3A_19 = arith.constant 0 : index
      %get3A_20 = vector.load %arg2[%get3A_18, %get3A_19] : memref<640x512xf32, #tpu.memory_space<vmem>>, vector<640x512xf32>
      %get3A_21 = arith.constant 0 : index
      %get3A_22 = arith.constant 0 : index
      %get3A_23 = vector.load %arg1[%get3A_21, %get3A_22] : memref<640x1024xf32, #tpu.memory_space<vmem>>, vector<640x1024xf32>
      %dot_general3A_24 = arith.constant dense<0.000000e+00> : vector<512x1024xf32>
      %dot_general3A_25 = tpu.matmul %get3A_20, %get3A_23, %dot_general3A_24 {dimension_numbers = #tpu.dot_dimension_numbers<[0], [0], [1], [1], [0, 1, 1, 1], [], []>, transpose_lhs_hint = false} : vector<640x512xf32>, vector<640x1024xf32>, vector<512x1024xf32> -> vector<512x1024xf32>
      %get3A_26 = arith.constant 0 : index
      %get3A_27 = arith.constant 0 : index
      %get3A_28 = vector.load %arg3[%get3A_26, %get3A_27] : memref<512x1xf32, #tpu.memory_space<vmem>>, vector<512x1xf32>
      %add3A_29 = vector.broadcast %get3A_28 : vector<512x1xf32> to vector<512x1024xf32>
      %add3A_30 = arith.addf %dot_general3A_25, %add3A_29 : vector<512x1024xf32>
      %max3A = arith.constant 0.000000e+00 : f32
      %max3A_31 = vector.broadcast %max3A : f32 to vector<512x1024xf32>
      %max3A_32 = arith.maximumf %add3A_30, %max3A_31 : vector<512x1024xf32>
      %convert_element_type3A_33 = arith.truncf %max3A_32 : vector<512x1024xf32> to vector<512x1024xbf16>
      %swap3A_34 = arith.constant 0 : index
      %swap3A_35 = arith.constant 0 : index
      %swap3A_36 = vector.load %arg7[%swap3A_34, %swap3A_35] : memref<512x1024xbf16, #tpu.memory_space<vmem>>, vector<512x1024xbf16>
      tpu.vector_store %arg7[%swap3A_34, %swap3A_35], %convert_element_type3A_33 {strides = array<i32>} : memref<512x1024xbf16, #tpu.memory_space<vmem>>, vector<512x1024xbf16>,
    } else {
    }
    %get3A = arith.constant 0 : index
    %get3A_2 = arith.constant 0 : index
    %get3A_3 = vector.load %arg4[%get3A, %get3A_2] : memref<2048x512xf32, #tpu.memory_space<vmem>>, vector<2048x512xf32>
    %convert_element_type3A_4 = arith.truncf %get3A_3 : vector<2048x512xf32> to vector<2048x512xbf16>
    %get3A_5 = arith.constant 0 : index
    %get3A_6 = arith.constant 0 : index
    %get3A_7 = vector.load %arg7[%get3A_5, %get3A_6] : memref<512x1024xbf16, #tpu.memory_space<vmem>>, vector<512x1024xbf16>
    %dot_general3A = arith.constant dense<0.000000e+00> : vector<2048x1024xf32>
    %dot_general3A_8 = tpu.matmul %convert_element_type3A_4, %get3A_7, %dot_general3A {dimension_numbers = #tpu.dot_dimension_numbers<[1], [0], [0], [1], [0, 0, 1, 1], [], []>, transpose_lhs_hint = false} : vector<2048x512xbf16>, vector<512x1024xbf16>, vector<2048x1024xf32> -> vector<2048x1024xf32>
    %get3A_9 = arith.constant 0 : index
    %get3A_10 = arith.constant 0 : index
    %get3A_11 = vector.load %arg5[%get3A_9, %get3A_10] : memref<1x2048xf32, #tpu.memory_space<vmem>>, vector<1x2048xf32>
    %broadcast_in_dim3A = arith.constant 1.000000e+00 : f32
    %broadcast_in_dim3A_12 = vector.broadcast %broadcast_in_dim3A : f32 to vector<1x1xf32>
    %dot_general3A_13 = arith.constant dense<0.000000e+00> : vector<2048x1xf32>
    %dot_general3A_14 = tpu.matmul %get3A_11, %broadcast_in_dim3A_12, %dot_general3A_13 {dimension_numbers = #tpu.dot_dimension_numbers<[0], [0], [1], [1], [0, 1, 1, 1], [], []>, transpose_lhs_hint = false} : vector<1x2048xf32>, vector<1x1xf32>, vector<2048x1xf32> -> vector<2048x1xf32>
    %add3A = vector.broadcast %dot_general3A_14 : vector<2048x1xf32> to vector<2048x1024xf32>
    %add3A_15 = arith.addf %dot_general3A_8, %add3A : vector<2048x1024xf32>
    %swap3A = arith.constant 0 : index
    %swap3A_16 = arith.constant 0 : index
    %swap3A_17 = vector.load %arg6[%swap3A, %swap3A_16] : memref<2048x1024xf32, #tpu.memory_space<vmem>>, vector<2048x1024xf32>
    tpu.vector_store %arg6[%swap3A, %swap3A_16], %add3A_15 {strides = array<i32>} : memref<2048x1024xf32, #tpu.memory_space<vmem>>, vector<2048x1024xf32>,
    return
  }
  func.func @transform_0(%arg0: i32) -> (i32, i32) {
    %c0_i32 = arith.constant 0 : i32
    %c0_i32_0 = arith.constant 0 : i32
    %c0_i32_1 = arith.constant 0 : i32
    return %c0_i32, %c0_i32_0 : i32, i32
  }
  func.func @transform_1(%arg0: i32) -> (i32, i32) {
    %c0_i32 = arith.constant 0 : i32
    %c0_i32_0 = arith.constant 0 : i32
    %c0_i32_1 = arith.constant 0 : i32
    return %c0_i32, %c0_i32_0 : i32, i32
  }
  func.func @transform_2(%arg0: i32) -> (i32, i32) {
    %c0_i32 = arith.constant 0 : i32
    %c0_i32_0 = arith.constant 0 : i32
    %c0_i32_1 = arith.constant 0 : i32
    return %c0_i32, %c0_i32_0 : i32, i32
  }
  func.func @transform_3(%arg0: i32) -> (i32, i32) {
    %c0_i32 = arith.constant 0 : i32
    %c0_i32_0 = arith.constant 0 : i32
    return %arg0, %c0_i32 : i32, i32
  }
  func.func @transform_4(%arg0: i32) -> (i32, i32) {
    %c0_i32 = arith.constant 0 : i32
    %c0_i32_0 = arith.constant 0 : i32
    return %c0_i32, %arg0 : i32, i32
  }
  func.func @transform_5(%arg0: i32) -> (i32, i32) {
    %c0_i32 = arith.constant 0 : i32
    %c0_i32_0 = arith.constant 0 : i32
    return %arg0, %c0_i32 : i32, i32
  }
}

</mosaic_0001>

<sc_bundles>
// kernel: kernel.4.cloned.1.call-start
scs
__scs_entry_jumppad:
0x0: {  	(pc) =	sbr.rel $0x88, $3  }
0x1: {  	(tag) =	ssettag $0x0;
	lr =	simm.s32 $0x1  }
0x2: {  	[smem:$0x3F9B] =	sst lr;
	_ =	strace $0xD0000000  }
0x3: {  	_ = 	snop  }
0x4: {  	_ = 	snop  }
0x5: {  	_ = 	snop  }
0x6: {  	_ = 	snop  }
0x7: {  	_ = 	snop  }
__scs_overlays_trampoline_lowered:
0x8: {  	[smem:$0x3FAA] =	sst s0  }
0x9: {  	[smem:$0x3FAB] =	sst s1  }
0xa: {  	[smem:$0x3FAC] =	sst s2  }
0xb: {  	[smem:$0x3FAD] =	sst s3  }
0xc: {  	[smem:$0x3FAE] =	sst s4  }
0xd: {  	[smem:$0x3FAF] =	sst s5  }
0xe: {  	[smem:$0x3FB0] =	sst s6  }
0xf: {  	[smem:$0x3FB1] =	sst s7  }
0x10: {  	[smem:$0x3FB2] =	sst s8  }
0x11: {  	[smem:$0x3FB3] =	sst s9;
	s0 =	simm.s32 @!p0 $0x0  }
0x12: {  	s1 =	sld [smem:$0x3F99];
	s0 =	simm.s32 @p0 $0x1  }
0x13: {  	[smem:$0x3FB4] =	sst s0;
	s0 =	simm.s32 @!p1 $0x0  }
0x14: {  	s2 =	sld [smem:$0x3F98];
	s0 =	simm.s32 @p1 $0x1  }
0x15: {  	[smem:$0x3FB5] =	sst s0;
	s0 =	simm.s32 @!p2 $0x0  }
0x16: {  	s3 =	sld [smem:$0x3FDB];
	s0 =	simm.s32 @p2 $0x1  }
0x17: {  	s4 =	simm.s32 $0x1BF5;
	[smem:$0x3FB7] =	sst s0  }
0x18: {  	s0 =	sld [smem:$0x3F9A];
	_ =	swait.ge [sflag:s4], $0x0  }
0x19: {  	s7 =	sld [smem:$0x3F9B]  }
0x1a: {  	s8 =	sadd.s32 $0xFFFFE003, lr  }
0x1b: {  	s9 =	sadd.s32 $0xFFFFFEF7, lr;
	s5 =	simm.s32 $0xFFFFFFFF;
	p2 =	slt.u32 s8, $0xFFFFF086  }
0x1c: {  	p1 =	slt.u32 s9, $0xF7A;
	s5 =	simm.s32 @!p2 $0x0  }
0x1d: {  	s5 =	simm.s32 @p1 $0x1;
	p0 =	seq.s32 s7, s2  }
0x1e: {  	s7 =	smul.u32 @!p0 $0xF7A, s2;
	p2 =	seq.s32 @!p0 s5, $0x0  }
0x1f: {  	s9 =	smul.u32 $0xF7A, s1;
	s8 =	simm.s32 @!p0 $0x1BF5;
	p2 =	por !p2, p0  }
0x20: {  	[sflag:s8] =	ssyncset.s32 @!p0 $0xFFFFF086;
	s6 =	sadd.s32 @!p0 s3, s7;
	s7 =	simm.s32 @!p0 $0x108  }
0x21: {  	s3 =	sadd.s32 s3, s9;
	s6 =	sadd.s32 @!p0 $0x88, s6;
	s7 =	simm.s32 @p2 $0x1082  }
0x22: {  	[simem:s7], [sflag:s8] =	dma.local @!p0 [hbm:s6], $0xF7A  }
0x23: {  	s9 =	sor.u32 $0xD0000000, s2;
	s6 =	simm.s32 $0x108;
	_ =	swait.ge @!p0 [sflag:s8], $0x0  }
0x24: {  	s3 =	sadd.s32 $0x88, s3;
	s6 =	simm.s32 @!p1 $0x1082;
	[sflag:s4] =	ssyncset.s32 $0xFFFFF086  }
0x25: {  	[simem:s6], [sflag:s4] =	dma.local [hbm:s3], $0xF7A  }
0x26: {  	[smem:$0x3F9B] =	sst s1;
	(tag) =	ssettag s2;
	_ =	strace s9  }
0x27: {  	s1 =	sld [smem:$0x3FAB]  }
0x28: {  	s2 =	sld [smem:$0x3FAC]  }
0x29: {  	s4 =	sld [smem:$0x3FAE]  }
0x2a: {  	p0 =	seq.s32 s5, $0x0;
	s5 =	sld [smem:$0x3FAF]  }
0x2b: {  	s6 =	sld [smem:$0x3FB0]  }
0x2c: {  	s7 =	sld [smem:$0x3FB1]  }
0x2d: {  	s3 =	simm.s32 $0x108;
	s8 =	sld [smem:$0x3FB2]  }
0x2e: {  	s3 =	simm.s32 @!p0 $0x1082;
	s9 =	sld [smem:$0x3FB3]  }
0x2f: {  	lr =	sadd.s32 s0, s3;
	s0 =	sld [smem:$0x3FAA]  }
0x30: {  	s3 =	sld [smem:$0x3FAD]  }
0x31: {  	[smem:$0x3FB6] =	sst s10  }
0x32: {  	s10 =	sld [smem:$0x3FB4];
	_ =	sdelay $0x3  }
0x33: {  	p0 =	seq.s32 s10, $0x1;
	s10 =	sld [smem:$0x3FB6];
	_ =	sdelay $0x3  }
0x34: {  	[smem:$0x3FB6] =	sst s10  }
0x35: {  	s10 =	sld [smem:$0x3FB5];
	_ =	sdelay $0x3  }
0x36: {  	p1 =	seq.s32 s10, $0x1;
	s10 =	sld [smem:$0x3FB6];
	_ =	sdelay $0x3  }
0x37: {  	[smem:$0x3FB6] =	sst s10  }
0x38: {  	s10 =	sld [smem:$0x3FB7]  }
0x39: {  	_ = 	snop;
	(pc) =	sbr.ind lr, $3  }
0x3a: {  	_ = 	snop  }
0x3b: {  	_ = 	snop  }
0x3c: {  	p2 =	seq.s32 s10, $0x1;
	s10 =	sld [smem:$0x3FB6]  }
0x3d: {  	_ =	shalt  }
0x3e: {  	_ =	shalt  }
0x3f: {  	_ =	shalt  }
0x40: {  	_ =	shalt  }
0x41: {  	_ =	shalt  }
0x42: {  	_ =	shalt  }
0x43: {  	_ =	shalt  }
0x44: {  	_ =	shalt  }
0x45: {  	_ =	shalt  }
0x46: {  	_ =	shalt  }
0x47: {  	_ =	shalt  }
0x48: {  	_ =	shalt  }
0x49: {  	_ =	shalt  }
0x4a: {  	_ =	shalt  }
0x4b: {  	_ =	shalt  }
0x4c: {  	_ =	shalt  }
0x4d: {  	_ =	shalt  }
0x4e: {  	_ =	shalt  }
0x4f: {  	_ =	shalt  }
0x50: {  	_ =	shalt  }
0x51: {  	_ =	shalt  }
0x52: {  	_ =	shalt  }
0x53: {  	_ =	shalt  }
0x54: {  	_ =	shalt  }
0x55: {  	_ =	shalt  }
0x56: {  	_ =	shalt  }
0x57: {  	_ =	shalt  }
0x58: {  	_ =	shalt  }
0x59: {  	_ =	shalt  }
0x5a: {  	_ =	shalt  }
0x5b: {  	_ =	shalt  }
0x5c: {  	_ =	shalt  }
0x5d: {  	_ =	shalt  }
0x5e: {  	_ =	shalt  }
0x5f: {  	_ =	shalt  }
0x60: {  	_ =	shalt  }
0x61: {  	_ =	shalt  }
0x62: {  	_ =	shalt  }
0x63: {  	_ =	shalt  }
0x64: {  	_ =	shalt  }
0x65: {  	_ =	shalt  }
0x66: {  	_ =	shalt  }
0x67: {  	_ =	shalt  }
0x68: {  	_ =	shalt  }
0x69: {  	_ =	shalt  }
0x6a: {  	_ =	shalt  }
0x6b: {  	_ =	shalt  }
0x6c: {  	_ =	shalt  }
0x6d: {  	_ =	shalt  }
0x6e: {  	_ =	shalt  }
0x6f: {  	_ =	shalt  }
0x70: {  	_ =	shalt  }
0x71: {  	_ =	shalt  }
0x72: {  	_ =	shalt  }
0x73: {  	_ =	shalt  }
0x74: {  	_ =	shalt  }
0x75: {  	_ =	shalt  }
0x76: {  	_ =	shalt  }
0x77: {  	_ =	shalt  }
0x78: {  	_ =	shalt  }
0x79: {  	_ =	shalt  }
0x7a: {  	_ =	shalt  }
0x7b: {  	_ =	shalt  }
0x7c: {  	_ =	shalt  }
0x7d: {  	_ =	shalt  }
0x7e: {  	_ =	shalt  }
0x7f: {  	_ =	shalt  }
0x80: {  	_ =	shalt  }
0x81: {  	_ =	shalt  }
0x82: {  	_ =	shalt  }
0x83: {  	_ =	shalt  }
0x84: {  	_ =	shalt  }
0x85: {  	_ =	shalt  }
0x86: {  	_ =	shalt  }
0x87: {  	_ =	shalt  }
.Lfunc_end0:
.L_simem_size_0:
called_computation_lowered:
.L_overlay_start_0:
0x88: {  	s2 =	sld [smem:$0x3FD9]  }
0x89: {  	s3 =	sld [smem:$0x3FFE];
	_ =	sdelay $0x1  }
0x8a: {  	s1 =	srdreg.scid  }
0x8b: {  	s0 =	sand.u32 $0x1, s1  }
0x8c: {  	s17 =	sshll.u32 s0, $0xA;
	s2 =	sadd.s32 s3, s2  }
0x8d: {  	s2 =	sadd.s32 s2, s17  }
0x8e: {  	[smem:$0x3FC2] =	sst s2  }
0x8f: {  	_ = 	snop  }
0x90: {  	s2 =	sld [smem:$0x3FD0];
	(tm) =	ssettm $0x1  }
0x91: {  	s18 =	sld [smem:$0x3FFB];
	_ =	sdelay $0x3  }
0x92: {  	_ =	strace s18  }
0x93: {  	s3 =	sld [smem:$0x3FFC];
	_ =	sdelay $0x3  }
0x94: {  	_ =	strace s3  }
0x95: {  	s3 =	sld [smem:$0x3FFD];
	_ =	sdelay $0x3  }
0x96: {  	_ =	strace s3  }
0x97: {  	_ =	strace $0x8FFFFFFF  }
0x98: {  	s19 =	sld [smem:$0x3FDB];
	_ =	sdelay $0x1  }
0x99: {  	s4 =	simm.s32 $_scs_section_size  }
0x9a: {  	s5 =	simm.s32 $_size__tile_overlayer_lowered;
	s6 =	simm.s32 $_tile_overlayer_lowered  }
0x9b: {  	s22 =	simm.s32 $0x1BFF;
	s21 =	sshll.u32 s6, $0x1;
	s3 =	sadd.s32 s4, s19  }
0x9c: {  	s7 =	simm.s32 $0x0;
	s20 =	sshll.u32 s5, $0x1;
	s5 =	sadd.s32 s21, s3  }
0x9d: {  	[timem:s7], [sflag:s22] =	dma.local [hbm:s5], s20  }
0x9e: {  	_ =	swait.ge [sflag:s22], s20  }
0x9f: {  	s4 =	ssub.s32 $0x0, s20;
	[sflag:s22] =	ssyncset.done $0x0  }
0xa0: {  	[sflag:s22] =	ssyncadd.s32 s4;
	_ =	sdelay $0x1  }
0xa1: {  	s23 =	simm.s32 $0x1B8B  }
0xa2: {  	_ =	swait.ge [sflag:s23], $0x1  }
0xa3: {  	[sflag:s23] =	ssyncset.done $0x0  }
0xa4: {  	s25 =	simm.s32 $0x1B8E;
	s24 =	sld [smem:$0x3FFE];
	[sflag:s23] =	ssyncadd.s32 $0xFFFFFFFF  }
0xa5: {  	s26 =	simm.s32 $execute0_lowered;
	[smem:$0x3FD2] =	sst s25  }
0xa6: {  	s5 =	sshll.u32 s26, $0x1;
	_ =	strace $0x80000046;
	[dreg:$0x1] =	wrdreg $0xFFFFFFFF  }
0xa7: {  	s28 =	simm.s32 $_size_execute0_lowered;
	s3 =	sadd.s32 s3, s5;
	[dreg:$0x0] =	wrdreg $0x0  }
0xa8: {  	s5 =	sshll.u32 s28, $0x1;
	[dreg:$0x2] =	wrdreg s3  }
0xa9: {  	[dreg:$0x3] =	wrdreg s5  }
0xaa: {  	[dreg:$0x4] =	wrdreg $0xC0  }
0xab: {  	_ =	task [dreg:s7], $0x5FFFF  }
0xac: {  	[dreg:$0x1] =	wrdreg $0xFFFFFFFF  }
0xad: {  	[dreg:$0x0] =	wrdreg $0x60  }
0xae: {  	[dreg:$0x2] =	wrdreg s2  }
0xaf: {  	[dreg:$0x3] =	wrdreg s24  }
0xb0: {  	[dreg:$0x4] =	wrdreg $0x9  }
0xb1: {  	_ =	task.clear_ibuf [dreg:s7], $0x5FFFF;
	_ =	strace $0x90000046  }
0xb2: {  	s29 =	simm.s32 $0x9;
	_ =	strace $0x80000048  }
0xb3: {  	_ =	swait.ge [sflag:s29], $0x1  }
0xb4: {  	[sflag:s29] =	ssyncadd.s32 $0xFFFFFFFF  }
0xb5: {  	_ =	strace $0x90000048  }
0xb6: {  	_ =	sfence  }
0xb7: {  	s30 =	sld [smem:$0x0];
	_ =	sdelay $0x2  }
0xb8: {  	s31 =	sshll.u32 s1, $0xD;
	s1 =	sshrl.u32 s1, $0x2  }
0xb9: {  	s3 =	sand.u32 $0x4000, s31;
	s1 =	sadd.s32 s1, s30  }
0xba: {  	s0 =	sor.u32 s3, s0;
	s1 =	sshll.u32 s1, $0x11  }
0xbb: {  	s0 =	sor.u32 s1, s0  }
0xbc: {  	s0 =	sadd.s32 $0x8F2B, s0  }
0xbd: {  	[sflag:s0] =	ssyncadd.remote.s32 $0x1  }
0xbe: {  	_ =	sfence.sel $0xFFFF  }
0xbf: {  	[dreg:$0x0] =	wrdreg $0xFFFFFFFF;
	(pc) =	sbr.abs _section_cstart, $3  }
0xc0: {  	[dreg:$0x1] =	wrdreg $0xFFFFFFFF  }
0xc1: {  	_ =	task.clear_ibuf [dreg:s7], $0x2FFFF;
	_ =	strace $0x9FFFFFFF  }
0xc2: {  	(tm) =	ssettm $0x7FFFFFFF  }
0xc3: {  	_ =	shalt  }
tec
execute0_lowered:
.L_overlay_start_1:
0x0: {  	(tag) =	ssettag $0x1  }
0x1: {  	s0 =	rddreg [dreg:$0x0];
	s1 =	srdreg.scid  }
0x2: {  	s2 =	stileid.u32;
	s3 =	rddreg [dreg:$0x1]  }
0x3: {  	s30 =	simm.s32 $0x5000;
	s1 =	sand.u32 $0x1, s1;
	s4 =	sshll.u32 s2, $0x1  }
0x4: {  	s31 =	simm.s32 $0x1;
	s2 =	simm.s32 $0x0;
	s4 =	sor.u32 s1, s4  }
0x5: {  	s29 =	simm.s32 $0x5400;
	[smem:$0x7FF] =	sst s2;
	s5 =	smul.u32 $0x30D4, s4  }
0x6: {  	s6 =	sadd.s32 $0xA00, s3;
	_ =	strace $0x80000047;
	s4 =	sshll.u32 s4, $0x7  }
0x7: {  	[dreg:$0x3] =	wrdreg s6;
	s3 =	sadd.s32 s4, s3;
	s0 =	sadd.s32 s0, s5  }
0x8: {  	s28 =	simm.s32 $0x5800;
	s24 =	sadd.s32 $0x1400, s3;
	[dreg:$0x4] =	wrdreg s0  }
0x9: {  	s23 =	simm.s32 $0x6800;
	s25 =	sadd.s32 $0x2400, s3;
	[dreg:$0x5] =	wrdreg s24  }
0xa: {  	s22 =	simm.s32 $0x6C00;
	s26 =	sadd.s32 $0x3400, s3;
	[dreg:$0x6] =	wrdreg s25  }
0xb: {  	s21 =	simm.s32 $0x7000;
	s4 =	sadd.s32 $0x4400, s3;
	[dreg:$0x7] =	wrdreg s26  }
0xc: {  	s20 =	simm.s32 $0x7400;
	s5 =	sadd.s32 $0x5400, s3;
	[dreg:$0x8] =	wrdreg s4  }
0xd: {  	s19 =	simm.s32 $0x7800;
	s6 =	sadd.s32 $0x6400, s3;
	[dreg:$0x9] =	wrdreg s5  }
0xe: {  	s18 =	simm.s32 $0x7C00;
	s7 =	sadd.s32 $0x7400, s3;
	[dreg:$0xa] =	wrdreg s6  }
0xf: {  	s17 =	simm.s32 $0x8000;
	s8 =	sadd.s32 $0x8400, s3;
	[dreg:$0xb] =	wrdreg s7  }
0x10: {  	p0 =	por $0x0, $0x0;
	s9 =	sadd.s32 $0x9400, s3;
	[dreg:$0xc] =	wrdreg s8  }
0x11: {  	s1 =	ssub.s32 $0x2, s1;
	s10 =	sadd.s32 $0xA400, s3;
	[dreg:$0xd] =	wrdreg s9  }
0x12: {  	s14 =	sshrl.u32 s1, $0x1;
	s11 =	sadd.s32 $0xB400, s3;
	[dreg:$0xe] =	wrdreg s10  }
0x13: {  	s1 =	ssub.s32 s1, s14;
	s12 =	sadd.s32 $0xC400, s3;
	[dreg:$0xf] =	wrdreg s11  }
0x14: {  	s14 =	simm.s32 $0x8C00;
	s13 =	sadd.s32 $0xD400, s3;
	[dreg:$0x10] =	wrdreg s12  }
0x15: {  	s15 =	sadd.s32 $0xE400, s3;
	s16 =	smax.u32 s1, $0x1;
	[dreg:$0x11] =	wrdreg s13  }
0x16: {  	[dreg:$0x12] =	wrdreg s15;
	s9 =	sadd.s32 $0xF400, s3;
	s8 =	sadd.s32 $0x10400, s3  }
0x17: {  	s7 =	sadd.s32 $0x11400, s3;
	s6 =	sadd.s32 $0x12400, s3;
	p1 =	sne.s32 s16, $0x1  }
.Ltmp0:
0x18: {  	s5 =	sadd.s32 $0x13400, s3;
	s4 =	sadd.s32 $0x14400, s3;
	(pc) =	sbr.rel @!p1 .LBB2_3-.Ltmp0, $4  }
0x19: {  	s3 =	simm.s32 $0x2;
	s26 =	simm.s32 $0x5C00;
	s25 =	simm.s32 $0x6000  }
0x1a: {  	s24 =	simm.s32 $0x6400;
	s15 =	simm.s32 $0x8400;
	s1 =	sadd.s32 $0xFFFFFFFF, s16  }
0x1b: {  	s16 =	simm.s32 $0x8800;
	s13 =	simm.s32 $0x9000;
	s12 =	simm.s32 $0x9400  }
0x1c: {  	s11 =	simm.s32 $0x9800;
	s10 =	simm.s32 $0x9C00;
	s0 =	rddreg [dreg:$0x3]  }
0x1d: {  	[tilespmem:s2], [sflag:$0x2] =	stream.linear.gather [hbm4b:s0+s2], $0x5000, $0x38;
	[tilespmem:$0xA000] =	vst v63  }
0x1e: {  	_ =	swait.ge [sflag:s3], $0x5000  }
0x1f: {  	[sflag:s3] =	ssyncset.done $0x0  }
0x20: {  	s0 =	rddreg [dreg:$0x4];
	[sflag:s3] =	ssyncadd.s32 $0xFFFFB000  }
0x21: {  	[tilespmem:s30], [sflag:$0x1] =	stream.indirect.gather [hbm4b:s0+s30], $0x1, s2, s30, $0xb8;
	[tilespmem:$0xA000] =	vst v63  }
0x22: {  	_ =	swait.ge [sflag:s31], $0x5000  }
0x23: {  	[sflag:s31] =	ssyncset.done $0x0  }
0x24: {  	s0 =	rddreg [dreg:$0x5];
	[sflag:s31] =	ssyncadd.s32 $0xFFFFB000  }
0x25: {  	[hbm4b:s0+s2] =	stream.linear.scatter [tilespmem:s30], [sflag:$0x2], $0x400, $0x38;
	[tilespmem:$0xA000] =	vst v63  }
0x26: {  	_ =	swait.ge [sflag:s3], $0x400  }
0x27: {  	[sflag:s3] =	ssyncset.done $0x0  }
0x28: {  	s0 =	rddreg [dreg:$0x6];
	[sflag:s3] =	ssyncadd.s32 $0xFFFFFC00  }
0x29: {  	[hbm4b:s0+s2] =	stream.linear.scatter [tilespmem:s29], [sflag:$0x2], $0x400, $0x38;
	[tilespmem:$0xA000] =	vst v63  }
0x2a: {  	_ =	swait.ge [sflag:s3], $0x400  }
0x2b: {  	[sflag:s3] =	ssyncset.done $0x0  }
0x2c: {  	s0 =	rddreg [dreg:$0x7];
	[sflag:s3] =	ssyncadd.s32 $0xFFFFFC00  }
0x2d: {  	[hbm4b:s0+s2] =	stream.linear.scatter [tilespmem:s28], [sflag:$0x2], $0x400, $0x38;
	[tilespmem:$0xA000] =	vst v63  }
0x2e: {  	_ =	swait.ge [sflag:s3], $0x400  }
0x2f: {  	[sflag:s3] =	ssyncset.done $0x0  }
0x30: {  	s0 =	rddreg [dreg:$0x8];
	[sflag:s3] =	ssyncadd.s32 $0xFFFFFC00  }
0x31: {  	[hbm4b:s0+s2] =	stream.linear.scatter [tilespmem:s26], [sflag:$0x2], $0x400, $0x38;
	[tilespmem:$0xA000] =	vst v63  }
0x32: {  	_ =	swait.ge [sflag:s3], $0x400  }
0x33: {  	[sflag:s3] =	ssyncset.done $0x0  }
0x34: {  	s0 =	rddreg [dreg:$0x9];
	[sflag:s3] =	ssyncadd.s32 $0xFFFFFC00  }
0x35: {  	[hbm4b:s0+s2] =	stream.linear.scatter [tilespmem:s25], [sflag:$0x2], $0x400, $0x38;
	[tilespmem:$0xA000] =	vst v63  }
0x36: {  	_ =	swait.ge [sflag:s3], $0x400  }
0x37: {  	[sflag:s3] =	ssyncset.done $0x0  }
0x38: {  	s0 =	rddreg [dreg:$0xa];
	[sflag:s3] =	ssyncadd.s32 $0xFFFFFC00  }
0x39: {  	[hbm4b:s0+s2] =	stream.linear.scatter [tilespmem:s24], [sflag:$0x2], $0x400, $0x38;
	[tilespmem:$0xA000] =	vst v63  }
0x3a: {  	_ =	swait.ge [sflag:s3], $0x400  }
0x3b: {  	[sflag:s3] =	ssyncset.done $0x0  }
0x3c: {  	s0 =	rddreg [dreg:$0xb];
	[sflag:s3] =	ssyncadd.s32 $0xFFFFFC00  }
0x3d: {  	[hbm4b:s0+s2] =	stream.linear.scatter [tilespmem:s23], [sflag:$0x2], $0x400, $0x38;
	[tilespmem:$0xA000] =	vst v63  }
0x3e: {  	_ =	swait.ge [sflag:s3], $0x400  }
0x3f: {  	[sflag:s3] =	ssyncset.done $0x0  }
0x40: {  	s0 =	rddreg [dreg:$0xc];
	[sflag:s3] =	ssyncadd.s32 $0xFFFFFC00  }
0x41: {  	[hbm4b:s0+s2] =	stream.linear.scatter [tilespmem:s22], [sflag:$0x2], $0x400, $0x38;
	[tilespmem:$0xA000] =	vst v63  }
0x42: {  	_ =	swait.ge [sflag:s3], $0x400  }
0x43: {  	[sflag:s3] =	ssyncset.done $0x0  }
0x44: {  	s0 =	rddreg [dreg:$0xd];
	[sflag:s3] =	ssyncadd.s32 $0xFFFFFC00  }
0x45: {  	[hbm4b:s0+s2] =	stream.linear.scatter [tilespmem:s21], [sflag:$0x2], $0x400, $0x38;
	[tilespmem:$0xA000] =	vst v63  }
0x46: {  	_ =	swait.ge [sflag:s3], $0x400  }
0x47: {  	[sflag:s3] =	ssyncset.done $0x0  }
0x48: {  	s0 =	rddreg [dreg:$0xe];
	[sflag:s3] =	ssyncadd.s32 $0xFFFFFC00  }
0x49: {  	[hbm4b:s0+s2] =	stream.linear.scatter [tilespmem:s20], [sflag:$0x2], $0x400, $0x38;
	[tilespmem:$0xA000] =	vst v63  }
0x4a: {  	_ =	swait.ge [sflag:s3], $0x400  }
0x4b: {  	[sflag:s3] =	ssyncset.done $0x0  }
0x4c: {  	s0 =	rddreg [dreg:$0xf];
	[sflag:s3] =	ssyncadd.s32 $0xFFFFFC00  }
0x4d: {  	[hbm4b:s0+s2] =	stream.linear.scatter [tilespmem:s19], [sflag:$0x2], $0x400, $0x38;
	[tilespmem:$0xA000] =	vst v63  }
0x4e: {  	_ =	swait.ge [sflag:s3], $0x400  }
0x4f: {  	[sflag:s3] =	ssyncset.done $0x0  }
0x50: {  	s0 =	rddreg [dreg:$0x10];
	[sflag:s3] =	ssyncadd.s32 $0xFFFFFC00  }
0x51: {  	[hbm4b:s0+s2] =	stream.linear.scatter [tilespmem:s18], [sflag:$0x2], $0x400, $0x38;
	[tilespmem:$0xA000] =	vst v63  }
0x52: {  	_ =	swait.ge [sflag:s3], $0x400  }
0x53: {  	[sflag:s3] =	ssyncset.done $0x0  }
0x54: {  	s0 =	rddreg [dreg:$0x11];
	[sflag:s3] =	ssyncadd.s32 $0xFFFFFC00  }
0x55: {  	[hbm4b:s0+s2] =	stream.linear.scatter [tilespmem:s17], [sflag:$0x2], $0x400, $0x38;
	[tilespmem:$0xA000] =	vst v63  }
0x56: {  	_ =	swait.ge [sflag:s3], $0x400  }
0x57: {  	[sflag:s3] =	ssyncset.done $0x0  }
0x58: {  	s0 =	rddreg [dreg:$0x12];
	[sflag:s3] =	ssyncadd.s32 $0xFFFFFC00  }
0x59: {  	[hbm4b:s0+s2] =	stream.linear.scatter [tilespmem:s15], [sflag:$0x2], $0x400, $0x38;
	[tilespmem:$0xA000] =	vst v63  }
0x5a: {  	_ =	swait.ge [sflag:s3], $0x400  }
0x5b: {  	[sflag:s3] =	ssyncset.done $0x0  }
0x5c: {  	[sflag:s3] =	ssyncadd.s32 $0xFFFFFC00  }
0x5d: {  	[hbm4b:s9+s2] =	stream.linear.scatter [tilespmem:s16], [sflag:$0x2], $0x400, $0x38;
	[tilespmem:$0xA000] =	vst v63  }
0x5e: {  	_ =	swait.ge [sflag:s3], $0x400  }
0x5f: {  	[sflag:s3] =	ssyncset.done $0x0  }
0x60: {  	[sflag:s3] =	ssyncadd.s32 $0xFFFFFC00  }
0x61: {  	[hbm4b:s8+s2] =	stream.linear.scatter [tilespmem:s14], [sflag:$0x2], $0x400, $0x38;
	[tilespmem:$0xA000] =	vst v63  }
0x62: {  	_ =	swait.ge [sflag:s3], $0x400  }
0x63: {  	[sflag:s3] =	ssyncset.done $0x0  }
0x64: {  	[sflag:s3] =	ssyncadd.s32 $0xFFFFFC00  }
0x65: {  	[hbm4b:s7+s2] =	stream.linear.scatter [tilespmem:s13], [sflag:$0x2], $0x400, $0x38;
	[tilespmem:$0xA000] =	vst v63  }
0x66: {  	_ =	swait.ge [sflag:s3], $0x400  }
0x67: {  	[sflag:s3] =	ssyncset.done $0x0  }
0x68: {  	[sflag:s3] =	ssyncadd.s32 $0xFFFFFC00  }
0x69: {  	[hbm4b:s6+s2] =	stream.linear.scatter [tilespmem:s12], [sflag:$0x2], $0x400, $0x38;
	[tilespmem:$0xA000] =	vst v63  }
0x6a: {  	_ =	swait.ge [sflag:s3], $0x400  }
0x6b: {  	[sflag:s3] =	ssyncset.done $0x0  }
0x6c: {  	[sflag:s3] =	ssyncadd.s32 $0xFFFFFC00  }
0x6d: {  	[hbm4b:s5+s2] =	stream.linear.scatter [tilespmem:s11], [sflag:$0x2], $0x400, $0x38;
	[tilespmem:$0xA000] =	vst v63  }
0x6e: {  	p1 =	sne.s32 s1, $0x1;
	_ =	swait.ge [sflag:s3], $0x400  }
.Ltmp1:
0x6f: {  	[sflag:s3] =	ssyncset.done $0x0;
	(pc) =	sbr.rel @!p1 .LBB2_3-.Ltmp1, $4  }
0x70: {  	[sflag:s3] =	ssyncadd.s32 $0xFFFFFC00  }
0x71: {  	[hbm4b:s4+s2] =	stream.linear.scatter [tilespmem:s10], [sflag:$0x2], $0x400, $0x38;
	[tilespmem:$0xA000] =	vst v63  }
0x72: {  	s1 =	sadd.s32 $0xFFFFFFFF, s1;
	_ =	swait.ge [sflag:s3], $0x400  }
0x73: {  	p0 =	por $0x1, $0x1;
	s0 =	rddreg [dreg:$0x3];
	[sflag:s3] =	ssyncset.done $0x0  }
.LBB2_2:
0x74: {  	[sflag:s3] =	ssyncadd.s32 $0xFFFFFC00  }
0x75: {  	[tilespmem:s2], [sflag:$0x2] =	stream.linear.gather [hbm4b:s0+s2], $0x5000, $0x38;
	[tilespmem:$0xA000] =	vst v63  }
0x76: {  	_ =	swait.ge [sflag:s3], $0x5000  }
0x77: {  	[sflag:s3] =	ssyncset.done $0x0  }
0x78: {  	s0 =	rddreg [dreg:$0x4];
	[sflag:s3] =	ssyncadd.s32 $0xFFFFB000  }
0x79: {  	[tilespmem:s30], [sflag:$0x1] =	stream.indirect.gather [hbm4b:s0+s30], $0x1, s2, s30, $0xb8;
	[tilespmem:$0xA000] =	vst v63  }
0x7a: {  	_ =	swait.ge [sflag:s31], $0x5000  }
0x7b: {  	[sflag:s31] =	ssyncset.done $0x0  }
0x7c: {  	s0 =	rddreg [dreg:$0x5];
	[sflag:s31] =	ssyncadd.s32 $0xFFFFB000  }
0x7d: {  	[hbm4b:s0+s2] =	stream.linear.scatter [tilespmem:s30], [sflag:$0x2], $0x400, $0x38;
	[tilespmem:$0xA000] =	vst v63  }
0x7e: {  	_ =	swait.ge [sflag:s3], $0x400  }
0x7f: {  	[sflag:s3] =	ssyncset.done $0x0  }
0x80: {  	s0 =	rddreg [dreg:$0x6];
	[sflag:s3] =	ssyncadd.s32 $0xFFFFFC00  }
0x81: {  	[hbm4b:s0+s2] =	stream.linear.scatter [tilespmem:s29], [sflag:$0x2], $0x400, $0x38;
	[tilespmem:$0xA000] =	vst v63  }
0x82: {  	_ =	swait.ge [sflag:s3], $0x400  }
0x83: {  	[sflag:s3] =	ssyncset.done $0x0  }
0x84: {  	s0 =	rddreg [dreg:$0x7];
	[sflag:s3] =	ssyncadd.s32 $0xFFFFFC00  }
0x85: {  	[hbm4b:s0+s2] =	stream.linear.scatter [tilespmem:s28], [sflag:$0x2], $0x400, $0x38;
	[tilespmem:$0xA000] =	vst v63  }
0x86: {  	_ =	swait.ge [sflag:s3], $0x400  }
0x87: {  	[sflag:s3] =	ssyncset.done $0x0  }
0x88: {  	s0 =	rddreg [dreg:$0x8];
	[sflag:s3] =	ssyncadd.s32 $0xFFFFFC00  }
0x89: {  	[hbm4b:s0+s2] =	stream.linear.scatter [tilespmem:s26], [sflag:$0x2], $0x400, $0x38;
	[tilespmem:$0xA000] =	vst v63  }
0x8a: {  	_ =	swait.ge [sflag:s3], $0x400  }
0x8b: {  	[sflag:s3] =	ssyncset.done $0x0  }
0x8c: {  	s0 =	rddreg [dreg:$0x9];
	[sflag:s3] =	ssyncadd.s32 $0xFFFFFC00  }
0x8d: {  	[hbm4b:s0+s2] =	stream.linear.scatter [tilespmem:s25], [sflag:$0x2], $0x400, $0x38;
	[tilespmem:$0xA000] =	vst v63  }
0x8e: {  	_ =	swait.ge [sflag:s3], $0x400  }
0x8f: {  	[sflag:s3] =	ssyncset.done $0x0  }
0x90: {  	s0 =	rddreg [dreg:$0xa];
	[sflag:s3] =	ssyncadd.s32 $0xFFFFFC00  }
0x91: {  	[hbm4b:s0+s2] =	stream.linear.scatter [tilespmem:s24], [sflag:$0x2], $0x400, $0x38;
	[tilespmem:$0xA000] =	vst v63  }
0x92: {  	_ =	swait.ge [sflag:s3], $0x400  }
0x93: {  	[sflag:s3] =	ssyncset.done $0x0  }
0x94: {  	s0 =	rddreg [dreg:$0xb];
	[sflag:s3] =	ssyncadd.s32 $0xFFFFFC00  }
0x95: {  	[hbm4b:s0+s2] =	stream.linear.scatter [tilespmem:s23], [sflag:$0x2], $0x400, $0x38;
	[tilespmem:$0xA000] =	vst v63  }
0x96: {  	_ =	swait.ge [sflag:s3], $0x400  }
0x97: {  	[sflag:s3] =	ssyncset.done $0x0  }
0x98: {  	s0 =	rddreg [dreg:$0xc];
	[sflag:s3] =	ssyncadd.s32 $0xFFFFFC00  }
0x99: {  	[hbm4b:s0+s2] =	stream.linear.scatter [tilespmem:s22], [sflag:$0x2], $0x400, $0x38;
	[tilespmem:$0xA000] =	vst v63  }
0x9a: {  	_ =	swait.ge [sflag:s3], $0x400  }
0x9b: {  	[sflag:s3] =	ssyncset.done $0x0  }
0x9c: {  	s0 =	rddreg [dreg:$0xd];
	[sflag:s3] =	ssyncadd.s32 $0xFFFFFC00  }
0x9d: {  	[hbm4b:s0+s2] =	stream.linear.scatter [tilespmem:s21], [sflag:$0x2], $0x400, $0x38;
	[tilespmem:$0xA000] =	vst v63  }
0x9e: {  	_ =	swait.ge [sflag:s3], $0x400  }
0x9f: {  	[sflag:s3] =	ssyncset.done $0x0  }
0xa0: {  	s0 =	rddreg [dreg:$0xe];
	[sflag:s3] =	ssyncadd.s32 $0xFFFFFC00  }
0xa1: {  	[hbm4b:s0+s2] =	stream.linear.scatter [tilespmem:s20], [sflag:$0x2], $0x400, $0x38;
	[tilespmem:$0xA000] =	vst v63  }
0xa2: {  	_ =	swait.ge [sflag:s3], $0x400  }
0xa3: {  	[sflag:s3] =	ssyncset.done $0x0  }
0xa4: {  	s0 =	rddreg [dreg:$0xf];
	[sflag:s3] =	ssyncadd.s32 $0xFFFFFC00  }
0xa5: {  	[hbm4b:s0+s2] =	stream.linear.scatter [tilespmem:s19], [sflag:$0x2], $0x400, $0x38;
	[tilespmem:$0xA000] =	vst v63  }
0xa6: {  	_ =	swait.ge [sflag:s3], $0x400  }
0xa7: {  	[sflag:s3] =	ssyncset.done $0x0  }
0xa8: {  	s0 =	rddreg [dreg:$0x10];
	[sflag:s3] =	ssyncadd.s32 $0xFFFFFC00  }
0xa9: {  	[hbm4b:s0+s2] =	stream.linear.scatter [tilespmem:s18], [sflag:$0x2], $0x400, $0x38;
	[tilespmem:$0xA000] =	vst v63  }
0xaa: {  	_ =	swait.ge [sflag:s3], $0x400  }
0xab: {  	[sflag:s3] =	ssyncset.done $0x0  }
0xac: {  	s0 =	rddreg [dreg:$0x11];
	[sflag:s3] =	ssyncadd.s32 $0xFFFFFC00  }
0xad: {  	[hbm4b:s0+s2] =	stream.linear.scatter [tilespmem:s17], [sflag:$0x2], $0x400, $0x38;
	[tilespmem:$0xA000] =	vst v63  }
0xae: {  	_ =	swait.ge [sflag:s3], $0x400  }
0xaf: {  	[sflag:s3] =	ssyncset.done $0x0  }
0xb0: {  	s0 =	rddreg [dreg:$0x12];
	[sflag:s3] =	ssyncadd.s32 $0xFFFFFC00  }
0xb1: {  	[hbm4b:s0+s2] =	stream.linear.scatter [tilespmem:s15], [sflag:$0x2], $0x400, $0x38;
	[tilespmem:$0xA000] =	vst v63  }
0xb2: {  	_ =	swait.ge [sflag:s3], $0x400  }
0xb3: {  	[sflag:s3] =	ssyncset.done $0x0  }
0xb4: {  	[sflag:s3] =	ssyncadd.s32 $0xFFFFFC00  }
0xb5: {  	[hbm4b:s9+s2] =	stream.linear.scatter [tilespmem:s16], [sflag:$0x2], $0x400, $0x38;
	[tilespmem:$0xA000] =	vst v63  }
0xb6: {  	_ =	swait.ge [sflag:s3], $0x400  }
0xb7: {  	[sflag:s3] =	ssyncset.done $0x0  }
0xb8: {  	[sflag:s3] =	ssyncadd.s32 $0xFFFFFC00  }
0xb9: {  	[hbm4b:s8+s2] =	stream.linear.scatter [tilespmem:s14], [sflag:$0x2], $0x400, $0x38;
	[tilespmem:$0xA000] =	vst v63  }
0xba: {  	_ =	swait.ge [sflag:s3], $0x400  }
0xbb: {  	[sflag:s3] =	ssyncset.done $0x0  }
0xbc: {  	[sflag:s3] =	ssyncadd.s32 $0xFFFFFC00  }
0xbd: {  	[hbm4b:s7+s2] =	stream.linear.scatter [tilespmem:s13], [sflag:$0x2], $0x400, $0x38;
	[tilespmem:$0xA000] =	vst v63  }
0xbe: {  	_ =	swait.ge [sflag:s3], $0x400  }
0xbf: {  	[sflag:s3] =	ssyncset.done $0x0  }
0xc0: {  	[sflag:s3] =	ssyncadd.s32 $0xFFFFFC00  }
0xc1: {  	[hbm4b:s6+s2] =	stream.linear.scatter [tilespmem:s12], [sflag:$0x2], $0x400, $0x38;
	[tilespmem:$0xA000] =	vst v63  }
0xc2: {  	_ =	swait.ge [sflag:s3], $0x400  }
0xc3: {  	[sflag:s3] =	ssyncset.done $0x0  }
0xc4: {  	[sflag:s3] =	ssyncadd.s32 $0xFFFFFC00  }
0xc5: {  	[hbm4b:s5+s2] =	stream.linear.scatter [tilespmem:s11], [sflag:$0x2], $0x400, $0x38;
	[tilespmem:$0xA000] =	vst v63  }
0xc6: {  	p1 =	sne.s32 s1, $0x1;
	_ =	swait.ge [sflag:s3], $0x400  }
.Ltmp2:
0xc7: {  	[sflag:s3] =	ssyncset.done $0x0;
	(pc) =	sbr.rel @p1 .LBB2_2-.Ltmp2, $4  }
0xc8: {  	[sflag:s3] =	ssyncadd.s32 $0xFFFFFC00  }
0xc9: {  	[hbm4b:s4+s2] =	stream.linear.scatter [tilespmem:s10], [sflag:$0x2], $0x400, $0x38;
	[tilespmem:$0xA000] =	vst v63  }
0xca: {  	_ =	swait.ge [sflag:s3], $0x400  }
0xcb: {  	s1 =	sadd.s32 $0xFFFFFFFF, s1;
	s0 =	rddreg [dreg:$0x3];
	[sflag:s3] =	ssyncset.done $0x0  }
.LBB2_3:
0xcc: {  	[sflag:s3] =	ssyncadd.s32 @p0 $0xFFFFFC00  }
0xcd: {  	[tilespmem:s2], [sflag:$0x2] =	stream.linear.gather [hbm4b:s0+s2], $0x5000, $0x38;
	[tilespmem:$0xA000] =	vst v63  }
0xce: {  	_ =	swait.ge [sflag:s3], $0x5000  }
0xcf: {  	[sflag:s3] =	ssyncset.done $0x0  }
0xd0: {  	s1 =	rddreg [dreg:$0x4];
	[sflag:s3] =	ssyncadd.s32 $0xFFFFB000  }
0xd1: {  	[tilespmem:s30], [sflag:$0x1] =	stream.indirect.gather [hbm4b:s1+s30], $0x1, s2, s30, $0xb8;
	[tilespmem:$0xA000] =	vst v63  }
0xd2: {  	_ =	swait.ge [sflag:s31], $0x5000  }
0xd3: {  	[sflag:s31] =	ssyncset.done $0x0  }
0xd4: {  	s1 =	rddreg [dreg:$0x5];
	[sflag:s31] =	ssyncadd.s32 $0xFFFFB000  }
0xd5: {  	[hbm4b:s1+s2] =	stream.linear.scatter [tilespmem:s30], [sflag:$0x2], $0x400, $0x38;
	[tilespmem:$0xA000] =	vst v63  }
0xd6: {  	_ =	swait.ge [sflag:s3], $0x400  }
0xd7: {  	[sflag:s3] =	ssyncset.done $0x0  }
0xd8: {  	s31 =	rddreg [dreg:$0x6];
	[sflag:s3] =	ssyncadd.s32 $0xFFFFFC00  }
0xd9: {  	[hbm4b:s31+s2] =	stream.linear.scatter [tilespmem:s29], [sflag:$0x2], $0x400, $0x38;
	[tilespmem:$0xA000] =	vst v63  }
0xda: {  	_ =	swait.ge [sflag:s3], $0x400  }
0xdb: {  	[sflag:s3] =	ssyncset.done $0x0  }
0xdc: {  	s1 =	rddreg [dreg:$0x7];
	[sflag:s3] =	ssyncadd.s32 $0xFFFFFC00  }
0xdd: {  	[hbm4b:s1+s2] =	stream.linear.scatter [tilespmem:s28], [sflag:$0x2], $0x400, $0x38;
	[tilespmem:$0xA000] =	vst v63  }
0xde: {  	_ =	swait.ge [sflag:s3], $0x400  }
0xdf: {  	[sflag:s3] =	ssyncset.done $0x0  }
0xe0: {  	s29 =	rddreg [dreg:$0x8];
	[sflag:s3] =	ssyncadd.s32 $0xFFFFFC00  }
0xe1: {  	[hbm4b:s29+s2] =	stream.linear.scatter [tilespmem:s26], [sflag:$0x2], $0x400, $0x38;
	[tilespmem:$0xA000] =	vst v63  }
0xe2: {  	_ =	swait.ge [sflag:s3], $0x400  }
0xe3: {  	[sflag:s3] =	ssyncset.done $0x0  }
0xe4: {  	s30 =	rddreg [dreg:$0x9];
	[sflag:s3] =	ssyncadd.s32 $0xFFFFFC00  }
0xe5: {  	[hbm4b:s30+s2] =	stream.linear.scatter [tilespmem:s25], [sflag:$0x2], $0x400, $0x38;
	[tilespmem:$0xA000] =	vst v63  }
0xe6: {  	_ =	swait.ge [sflag:s3], $0x400  }
0xe7: {  	[sflag:s3] =	ssyncset.done $0x0  }
0xe8: {  	s31 =	rddreg [dreg:$0xa];
	[sflag:s3] =	ssyncadd.s32 $0xFFFFFC00  }
0xe9: {  	[hbm4b:s31+s2] =	stream.linear.scatter [tilespmem:s24], [sflag:$0x2], $0x400, $0x38;
	[tilespmem:$0xA000] =	vst v63  }
0xea: {  	_ =	swait.ge [sflag:s3], $0x400  }
0xeb: {  	[sflag:s3] =	ssyncset.done $0x0  }
0xec: {  	s1 =	rddreg [dreg:$0xb];
	[sflag:s3] =	ssyncadd.s32 $0xFFFFFC00  }
0xed: {  	[hbm4b:s1+s2] =	stream.linear.scatter [tilespmem:s23], [sflag:$0x2], $0x400, $0x38;
	[tilespmem:$0xA000] =	vst v63  }
0xee: {  	_ =	swait.ge [sflag:s3], $0x400  }
0xef: {  	[sflag:s3] =	ssyncset.done $0x0  }
0xf0: {  	s23 =	rddreg [dreg:$0xc];
	[sflag:s3] =	ssyncadd.s32 $0xFFFFFC00  }
0xf1: {  	[hbm4b:s23+s2] =	stream.linear.scatter [tilespmem:s22], [sflag:$0x2], $0x400, $0x38;
	[tilespmem:$0xA000] =	vst v63  }
0xf2: {  	_ =	swait.ge [sflag:s3], $0x400  }
0xf3: {  	[sflag:s3] =	ssyncset.done $0x0  }
0xf4: {  	s24 =	rddreg [dreg:$0xd];
	[sflag:s3] =	ssyncadd.s32 $0xFFFFFC00  }
0xf5: {  	[hbm4b:s24+s2] =	stream.linear.scatter [tilespmem:s21], [sflag:$0x2], $0x400, $0x38;
	[tilespmem:$0xA000] =	vst v63  }
0xf6: {  	_ =	swait.ge [sflag:s3], $0x400  }
0xf7: {  	[sflag:s3] =	ssyncset.done $0x0  }
0xf8: {  	s25 =	rddreg [dreg:$0xe];
	[sflag:s3] =	ssyncadd.s32 $0xFFFFFC00  }
0xf9: {  	[hbm4b:s25+s2] =	stream.linear.scatter [tilespmem:s20], [sflag:$0x2], $0x400, $0x38;
	[tilespmem:$0xA000] =	vst v63  }
0xfa: {  	_ =	swait.ge [sflag:s3], $0x400  }
0xfb: {  	[sflag:s3] =	ssyncset.done $0x0  }
0xfc: {  	s26 =	rddreg [dreg:$0xf];
	[sflag:s3] =	ssyncadd.s32 $0xFFFFFC00  }
0xfd: {  	[hbm4b:s26+s2] =	stream.linear.scatter [tilespmem:s19], [sflag:$0x2], $0x400, $0x38;
	[tilespmem:$0xA000] =	vst v63  }
0xfe: {  	_ =	swait.ge [sflag:s3], $0x400  }
0xff: {  	[sflag:s3] =	ssyncset.done $0x0  }
0x100: {  	s28 =	rddreg [dreg:$0x10];
	[sflag:s3] =	ssyncadd.s32 $0xFFFFFC00  }
0x101: {  	[hbm4b:s28+s2] =	stream.linear.scatter [tilespmem:s18], [sflag:$0x2], $0x400, $0x38;
	[tilespmem:$0xA000] =	vst v63  }
0x102: {  	_ =	swait.ge [sflag:s3], $0x400  }
0x103: {  	[sflag:s3] =	ssyncset.done $0x0  }
0x104: {  	s29 =	rddreg [dreg:$0x11];
	[sflag:s3] =	ssyncadd.s32 $0xFFFFFC00  }
0x105: {  	[hbm4b:s29+s2] =	stream.linear.scatter [tilespmem:s17], [sflag:$0x2], $0x400, $0x38;
	[tilespmem:$0xA000] =	vst v63  }
0x106: {  	_ =	swait.ge [sflag:s3], $0x400  }
0x107: {  	[sflag:s3] =	ssyncset.done $0x0  }
0x108: {  	s30 =	rddreg [dreg:$0x12];
	[sflag:s3] =	ssyncadd.s32 $0xFFFFFC00  }
0x109: {  	[hbm4b:s30+s2] =	stream.linear.scatter [tilespmem:s15], [sflag:$0x2], $0x400, $0x38;
	[tilespmem:$0xA000] =	vst v63  }
0x10a: {  	_ =	swait.ge [sflag:s3], $0x400  }
0x10b: {  	[sflag:s3] =	ssyncset.done $0x0  }
0x10c: {  	[sflag:s3] =	ssyncadd.s32 $0xFFFFFC00  }
0x10d: {  	[hbm4b:s9+s2] =	stream.linear.scatter [tilespmem:s16], [sflag:$0x2], $0x400, $0x38;
	[tilespmem:$0xA000] =	vst v63  }
0x10e: {  	_ =	swait.ge [sflag:s3], $0x400  }
0x10f: {  	[sflag:s3] =	ssyncset.done $0x0  }
0x110: {  	[sflag:s3] =	ssyncadd.s32 $0xFFFFFC00  }
0x111: {  	[hbm4b:s8+s2] =	stream.linear.scatter [tilespmem:s14], [sflag:$0x2], $0x400, $0x38;
	[tilespmem:$0xA000] =	vst v63  }
0x112: {  	_ =	swait.ge [sflag:s3], $0x400  }
0x113: {  	[sflag:s3] =	ssyncset.done $0x0  }
0x114: {  	[sflag:s3] =	ssyncadd.s32 $0xFFFFFC00  }
0x115: {  	[hbm4b:s7+s2] =	stream.linear.scatter [tilespmem:s13], [sflag:$0x2], $0x400, $0x38;
	[tilespmem:$0xA000] =	vst v63  }
0x116: {  	_ =	swait.ge [sflag:s3], $0x400  }
0x117: {  	[sflag:s3] =	ssyncset.done $0x0  }
0x118: {  	[sflag:s3] =	ssyncadd.s32 $0xFFFFFC00  }
0x119: {  	[hbm4b:s6+s2] =	stream.linear.scatter [tilespmem:s12], [sflag:$0x2], $0x400, $0x38;
	[tilespmem:$0xA000] =	vst v63  }
0x11a: {  	_ =	swait.ge [sflag:s3], $0x400  }
0x11b: {  	[sflag:s3] =	ssyncset.done $0x0  }
0x11c: {  	[sflag:s3] =	ssyncadd.s32 $0xFFFFFC00  }
0x11d: {  	[hbm4b:s5+s2] =	stream.linear.scatter [tilespmem:s11], [sflag:$0x2], $0x400, $0x38;
	[tilespmem:$0xA000] =	vst v63  }
0x11e: {  	_ =	swait.ge [sflag:s3], $0x400  }
0x11f: {  	[sflag:s3] =	ssyncset.done $0x0  }
0x120: {  	[sflag:s3] =	ssyncadd.s32 $0xFFFFFC00  }
0x121: {  	[hbm4b:s4+s2] =	stream.linear.scatter [tilespmem:s10], [sflag:$0x2], $0x400, $0x38;
	[tilespmem:$0xA000] =	vst v63  }
0x122: {  	_ =	swait.ge [sflag:s3], $0x400  }
0x123: {  	[sflag:s3] =	ssyncset.done $0x0  }
0x124: {  	[sflag:s3] =	ssyncadd.s32 $0xFFFFFC00  }
0x125: {  	_ =	sfence.sel $0x180000  }
0x126: {  	[bflag:$0x0] =	sbarrier.arrive $0xFFFF  }
0x127: {  	_ =	strace $0x90000047  }
0x128: {  	s31 =	stileid.u32;
	[bflag:$0x2] =	sbarrier.arrive $0xFFFF  }
0x129: {  	p0 =	sne.s32 s31, $0x0;
	s0 =	rddreg [dreg:$0x2]  }
0x12a: {  	s0 =	sadd.s32 @!p0 $0x100000, s0  }
0x12b: {  	[sflag:s0] =	ssyncadd.tile.s32 @!p0 $0x1;
	_ =	shalt  }
.Lfunc_end2:
_tile_overlayer_lowered:
.L_overlay_start_2:
0x12c: {  	(tag) =	ssettag $0x2  }
0x12d: {  	s0 =	rddreg [dreg:$0x0];
	s2 =	stileid.u32  }
0x12e: {  	s1 =	rddreg [dreg:$0x1];
	p0 =	sne.s32 s2, $0x0  }
0x12f: {  	s3 =	rddreg [dreg:$0x2];
	[bflag:$0x3] =	sbarrier.arrive $0xFFFF;
	s2 =	simm.s32 @!p0 $0x1C02  }
0x130: {  	[timem:s3], [sflag:s2] =	dma.local @!p0 [hbm:s0], s1  }
0x131: {  	s0 =	simm.s32 @!p0 $0x2  }
0x132: {  	_ =	swait.ge @!p0 [sflag:s0], s1  }
0x133: {  	s1 =	ssub.s32 @!p0 $0x0, s1;
	[sflag:s0] =	ssyncset.done @!p0 $0x0  }
0x134: {  	[sflag:s0] =	ssyncadd.s32 @!p0 s1  }
0x135: {  	[bflag:$0x3] =	sbarrier.arrive $0xFFFF  }
0x136: {  	_ =	shalt  }

</sc_bundles>
